<compile_context>
chip_gen: v7x
topology: tpu7x:2x2x1
jax: 0.10.2.dev20260603
libtpu: 0.0.44.dev20260713+nightly
codegen_flags: <defaults>
</compile_context>

<pallas_src>
import functools

import jax
import jax.numpy as jnp
from jax import lax
from jax.experimental import pallas as pl
from jax.experimental.pallas import tpu as pltpu
from jax.experimental.pallas import tpu_sc as plsc

F32 = jnp.float32
I32 = jnp.int32

N0 = 10000
N0P = 10240
E1 = 160000
E2 = 65536
N1 = 4096
N2 = 1024


def _proj_body(x_ref, wl_ref, wr_ref, out_l_ref, out_r_ref):
    x = x_ref[...]
    out_l_ref[...] = jnp.dot(x, wl_ref[...], preferred_element_type=F32)
    out_r_ref[...] = jnp.dot(x, wr_ref[...], preferred_element_type=F32)


def _proj(x, wl, wr):
    return pl.pallas_call(
        _proj_body,
        grid=(2,),
        in_specs=[
            pl.BlockSpec((5000, 256), lambda i: (i, 0)),
            pl.BlockSpec((256, 16), lambda i: (0, 0)),
            pl.BlockSpec((256, 16), lambda i: (0, 0)),
        ],
        out_specs=[
            pl.BlockSpec((5000, 16), lambda i: (i, 0)),
            pl.BlockSpec((5000, 16), lambda i: (i, 0)),
        ],
        out_shape=[
            jax.ShapeDtypeStruct((N0, 16), F32),
            jax.ShapeDtypeStruct((N0, 16), F32),
        ],
    )(x, wl, wr)


_MESH = plsc.VectorSubcoreMesh(core_axis_name="c", subcore_axis_name="s")
_SC_PARAMS = pltpu.CompilerParams(use_tc_tiling_on_sc=False,
                                  needs_layout_passes=False)


@functools.partial(
    pl.kernel,
    mesh=_MESH,
    out_type=[
        jax.ShapeDtypeStruct((N1, 16), F32),
        jax.ShapeDtypeStruct((2, N0P, 16), F32),
        jax.ShapeDtypeStruct((2, N1, 16), F32),
        jax.ShapeDtypeStruct((2, N1), F32),
    ],
    scratch_types=[
        pltpu.VMEM((256, 16), F32),
        pltpu.VMEM((256,), F32),
        pltpu.VMEM((1024,), F32),
        pltpu.VMEM((1024,), I32),
        pltpu.VMEM((1024,), I32),
        pltpu.VMEM((1000, 16), F32),
        pltpu.VMEM((1000, 16), F32),
        pltpu.VMEM((1024, 16), F32),
        pltpu.VMEM((5000,), I32),
        pltpu.VMEM((5000,), I32),
        pltpu.VMEM_SHARED((N1, 16), F32),
        pltpu.VMEM_SHARED((N1,), F32),
        pltpu.SemaphoreType.DMA,
        pltpu.SemaphoreType.DMA,
        pltpu.SemaphoreType.DMA,
        pltpu.SemaphoreType.DMA,
        pltpu.SemaphoreType.DMA,
    ],
    compiler_params=_SC_PARAMS,
)
def _sc1(pl_hbm, pr_hbm, nid_hbm, src_hbm, dst_hbm,
         root_out, g_out, acc_out, cnt_out,
         zbuf, czbuf, ones_v, nid_v, ridx_v, growA, growB,
         rrow_v, src_v, dst_v, acc_sh, cnt_sh,
         sem_g0, sem_g1, sem_a0, sem_a1, sem_c):
    c = lax.axis_index("c")
    s = lax.axis_index("s")
    w = s * 2 + c

    pd0 = pltpu.async_copy(src_hbm.at[pl.ds(w * 5000, 5000)], src_v, sem_g0)
    pd1 = pltpu.async_copy(dst_hbm.at[pl.ds(w * 5000, 5000)], dst_v, sem_g1)

    def fillz(i, _):
        zbuf[i] = jnp.zeros((16,), F32)
        return 0
    lax.fori_loop(0, 256, fillz, 0)

    def fillcz(i, _):
        czbuf[pl.ds(i * 16, 16)] = jnp.zeros((16,), F32)
        return 0
    lax.fori_loop(0, 16, fillcz, 0)

    def fill1(i, _):
        ones_v[pl.ds(i * 16, 16)] = jnp.full((16,), 1.0, F32)
        return 0
    lax.fori_loop(0, 64, fill1, 0)

    zd0 = pltpu.async_copy(zbuf, acc_sh.at[pl.ds(s * 256, 256)], sem_a0)
    zd1 = pltpu.async_copy(czbuf, cnt_sh.at[pl.ds(s * 256, 256)], sem_a1)

    @pl.when(s < 9)
    def _():
        pltpu.sync_copy(nid_hbm.at[pl.ds(s * 1024, 1024)], nid_v)
        pltpu.sync_copy(pl_hbm.at[nid_v], rrow_v)
        pltpu.sync_copy(rrow_v, g_out.at[c, pl.ds(s * 1024, 1024)])

    @pl.when(s == 9)
    def _():
        pltpu.sync_copy(nid_hbm.at[pl.ds(9216, 784)], nid_v.at[pl.ds(0, 784)])
        pltpu.sync_copy(pl_hbm.at[nid_v.at[pl.ds(0, 784)]],
                        rrow_v.at[pl.ds(0, 784)])
        pltpu.sync_copy(rrow_v.at[pl.ds(0, 784)],
                        g_out.at[c, pl.ds(9216, 784)])

    @pl.when((s >= 10) & (s < 12))
    def _():
        q = (s - 10) * 2 + c
        pltpu.sync_copy(nid_hbm.at[pl.ds(q * 1024, 1024)], ridx_v)
        pltpu.sync_copy(pr_hbm.at[ridx_v], rrow_v)
        pltpu.sync_copy(rrow_v, root_out.at[pl.ds(q * 1024, 1024)])

    zd0.wait()
    zd1.wait()
    pd0.wait()
    pd1.wait()
    plsc.subcore_barrier()

    gtab = g_out.at[c]
    bufs = (growA, growB)
    gsems = (sem_g0, sem_g1)
    asems = (sem_a0, sem_a1)
    gd = [None] * 5
    ad = [None] * 5
    cd = [None] * 5
    gd[0] = pltpu.async_copy(gtab.at[src_v.at[pl.ds(0, 1000)]], bufs[0],
                             gsems[0])
    for j in range(5):
        if j + 1 < 5:
            if j - 1 >= 0:
                ad[j - 1].wait()
            gd[j + 1] = pltpu.async_copy(
                gtab.at[src_v.at[pl.ds((j + 1) * 1000, 1000)]],
                bufs[(j + 1) % 2], gsems[(j + 1) % 2])
        gd[j].wait()
        ad[j] = pltpu.async_copy(
            bufs[j % 2], acc_sh.at[dst_v.at[pl.ds(j * 1000, 1000)]],
            asems[j % 2], add=True)
        cd[j] = pltpu.async_copy(
            ones_v.at[pl.ds(0, 1000)],
            cnt_sh.at[dst_v.at[pl.ds(j * 1000, 1000)]], sem_c, add=True)
    ad[3].wait()
    ad[4].wait()
    for j in range(5):
        cd[j].wait()

    plsc.subcore_barrier()

    pltpu.sync_copy(acc_sh.at[pl.ds(s * 256, 256)], growA.at[pl.ds(0, 256)])
    pltpu.sync_copy(growA.at[pl.ds(0, 256)], acc_out.at[c, pl.ds(s * 256, 256)])
    pltpu.sync_copy(cnt_sh.at[pl.ds(s * 256, 256)], czbuf)
    pltpu.sync_copy(czbuf, cnt_out.at[c, pl.ds(s * 256, 256)])


@functools.partial(
    pl.kernel,
    mesh=_MESH,
    out_type=[
        jax.ShapeDtypeStruct((5, N2, 16), F32),
        jax.ShapeDtypeStruct((2, N1, 16), F32),
    ],
    scratch_types=[
        pltpu.VMEM((64, 16), F32),
        pltpu.VMEM((64,), F32),
        pltpu.VMEM((256, 16), F32),
        pltpu.VMEM((256, 16), F32),
        pltpu.VMEM((256,), F32),
        pltpu.VMEM((256,), F32),
        pltpu.VMEM((256, 16), F32),
        pltpu.VMEM((256, 16), F32),
        pltpu.VMEM((16,), F32),
        pltpu.VMEM((1024, 16), F32),
        pltpu.VMEM((1024, 16), F32),
        pltpu.VMEM((2048,), I32),
        pltpu.VMEM((2048,), I32),
        pltpu.VMEM((1024,), F32),
        pltpu.VMEM_SHARED((N2, 16), F32),
        pltpu.VMEM_SHARED((N2,), F32),
        pltpu.SemaphoreType.DMA,
        pltpu.SemaphoreType.DMA,
        pltpu.SemaphoreType.DMA,
        pltpu.SemaphoreType.DMA,
        pltpu.SemaphoreType.DMA,
    ],
    compiler_params=_SC_PARAMS,
)
def _sc2(acc1_hbm, cnt1_hbm, root_hbm, b_hbm, src_hbm, dst_hbm,
         l2_out, h1c_out,
         zbuf, czbuf, a0_v, a1_v, c0_v, c1_v, root_v, hbuf, b_v,
         growA, growB, src_v, dst_v, ones_v, acc_sh, cnt_sh,
         sem_g0, sem_g1, sem_a0, sem_a1, sem_c):
    c = lax.axis_index("c")
    s = lax.axis_index("s")
    w = s * 2 + c

    def fill(i, _):
        zbuf[i] = jnp.zeros((16,), F32)
        return 0
    lax.fori_loop(0, 64, fill, 0)

    def fillcz(i, _):
        czbuf[pl.ds(i * 16, 16)] = jnp.zeros((16,), F32)
        return 0
    lax.fori_loop(0, 4, fillcz, 0)

    def fill1(i, _):
        ones_v[pl.ds(i * 16, 16)] = jnp.full((16,), 1.0, F32)
        return 0
    lax.fori_loop(0, 64, fill1, 0)

    zd0 = pltpu.async_copy(zbuf, acc_sh.at[pl.ds(s * 64, 64)], sem_a0)
    zd1 = pltpu.async_copy(czbuf, cnt_sh.at[pl.ds(s * 64, 64)], sem_a1)

    r0 = s * 256
    d0 = pltpu.async_copy(acc1_hbm.at[0, pl.ds(r0, 256)], a0_v, sem_c)
    d1 = pltpu.async_copy(acc1_hbm.at[1, pl.ds(r0, 256)], a1_v, sem_c)
    d2 = pltpu.async_copy(cnt1_hbm.at[0, pl.ds(r0, 256)], c0_v, sem_c)
    d3 = pltpu.async_copy(cnt1_hbm.at[1, pl.ds(r0, 256)], c1_v, sem_c)
    d4 = pltpu.async_copy(root_hbm.at[pl.ds(r0, 256)], root_v, sem_c)
    d5 = pltpu.async_copy(b_hbm, b_v, sem_c)
    for d in (d0, d1, d2, d3, d4, d5):
        d.wait()

    def cadd(i, _):
        o = pl.ds(i * 16, 16)
        c0_v[o] = c0_v[o] + c1_v[o]
        return 0
    lax.fori_loop(0, 16, cadd, 0)

    def hrow(i, _):
        n = jnp.maximum(plsc.load_gather(c0_v, [jnp.full((16,), i, I32)]), 1.0)
        h = jnp.maximum((a0_v[i] + a1_v[i]) / n + root_v[i] + b_v[...], 0.0)
        hbuf[i] = h
        return 0
    lax.fori_loop(0, 256, hrow, 0)

    hw = pltpu.async_copy(hbuf, h1c_out.at[c, pl.ds(r0, 256)], sem_c)

    @pl.when((s < 4) & (c == 0))
    def _():
        pltpu.sync_copy(hbuf, l2_out.at[4, pl.ds(r0, 256)])

    zd0.wait()
    zd1.wait()
    hw.wait()
    plsc.subcore_barrier()

    pltpu.sync_copy(src_hbm.at[pl.ds(w * 2048, 2048)], src_v)
    pltpu.sync_copy(dst_hbm.at[pl.ds(w * 2048, 2048)], dst_v)

    htab = h1c_out.at[c]
    g0 = pltpu.async_copy(htab.at[src_v.at[pl.ds(0, 1024)]], growA, sem_g0)
    g1 = pltpu.async_copy(htab.at[src_v.at[pl.ds(1024, 1024)]], growB, sem_g1)
    g0.wait()
    a0 = pltpu.async_copy(growA, acc_sh.at[dst_v.at[pl.ds(0, 1024)]],
                          sem_a0, add=True)
    k0 = pltpu.async_copy(ones_v, cnt_sh.at[dst_v.at[pl.ds(0, 1024)]],
                          sem_c, add=True)
    g1.wait()
    a1 = pltpu.async_copy(growB, acc_sh.at[dst_v.at[pl.ds(1024, 1024)]],
                          sem_a1, add=True)
    k1 = pltpu.async_copy(ones_v, cnt_sh.at[dst_v.at[pl.ds(1024, 1024)]],
                          sem_c, add=True)
    for d in (a0, k0, a1, k1):
        d.wait()

    plsc.subcore_barrier()

    r = s * 64
    pltpu.sync_copy(acc_sh.at[pl.ds(r, 64)], growA.at[pl.ds(0, 64)])
    pltpu.sync_copy(growA.at[pl.ds(0, 64)], l2_out.at[c, pl.ds(r, 64)])

    pltpu.sync_copy(cnt_sh.at[pl.ds(r, 64)], czbuf)

    def cbc(i, _):
        growB[i] = plsc.load_gather(czbuf, [jnp.full((16,), i, I32)])
        return 0
    lax.fori_loop(0, 64, cbc, 0)
    pltpu.sync_copy(growB.at[pl.ds(0, 64)], l2_out.at[2 + c, pl.ds(r, 64)])


def _comb2_body(l2_ref, wl_ref, wr_ref, b_ref, out_ref):
    sums = l2_ref[0] + l2_ref[1]
    cnt = jnp.maximum(l2_ref[2] + l2_ref[3], 1.0)
    mean = sums / cnt
    z = (jnp.dot(mean, wl_ref[...], preferred_element_type=F32)
         + jnp.dot(l2_ref[4], wr_ref[...], preferred_element_type=F32)
         + b_ref[...][None, :])
    m = jnp.max(z, axis=1, keepdims=True)
    lse = m + jnp.log(jnp.sum(jnp.exp(z - m), axis=1, keepdims=True))
    out_ref[...] = z - lse


def _comb2(l2, wl2, wr2, b2):
    return pl.pallas_call(
        _comb2_body,
        out_shape=jax.ShapeDtypeStruct((N2, 41), F32),
    )(l2, wl2, wr2, b2)


def kernel(x, n_id, src1, dst1, src2, dst2, W_l1, W_r1, b1, W_l2, W_r2, b2):
    p_l, p_r = _proj(x, W_l1, W_r1)

    root1, _g, acc1, cnt1 = _sc1(p_l, p_r, n_id.astype(I32),
                                 src1.astype(I32), dst1.astype(I32))

    l2, _h1c = _sc2(acc1, cnt1, root1, b1,
                    src2.astype(I32), dst2.astype(I32))

    return _comb2(l2, W_l2, W_r2, b2)

# --- scband reference (transcript-rebuilt; emitter-appended) ---
"""Pipeline reference for scband-net-88905823027614 (READ-ONLY COPY).

The authoritative reference and input builder live on the scoring server;
editing this copy changes nothing except your own understanding.
"""

import jax, jax.numpy as jnp
import numpy as np

N0, N1, N2 = 10000, 4096, 1024
E1, E2 = 160000, 65536
D_IN, D_HID, D_OUT = 256, 16, 41


def setup_inputs(seed: int = 0) -> dict:
    key = jax.random.key(seed)
    ks = jax.random.split(key, 12)
    x = jax.random.normal(ks[0], (N0, D_IN), dtype=jnp.float32)
    n_id = jax.random.randint(ks[1], (N0,), 0, N0, dtype=jnp.int64 if jax.config.jax_enable_x64 else jnp.int32)
    src1 = jax.random.randint(ks[2], (E1,), 0, N0)
    dst1 = jax.random.randint(ks[3], (E1,), 0, N1)
    src2 = jax.random.randint(ks[4], (E2,), 0, N1)
    dst2 = jax.random.randint(ks[5], (E2,), 0, N2)
    W_l1 = jax.random.normal(ks[6], (D_IN, D_HID), dtype=jnp.float32) / np.sqrt(D_IN)
    W_r1 = jax.random.normal(ks[7], (D_IN, D_HID), dtype=jnp.float32) / np.sqrt(D_IN)
    b1 = jnp.zeros((D_HID,), dtype=jnp.float32)
    W_l2 = jax.random.normal(ks[8], (D_HID, D_OUT), dtype=jnp.float32) / np.sqrt(D_HID)
    W_r2 = jax.random.normal(ks[9], (D_HID, D_OUT), dtype=jnp.float32) / np.sqrt(D_HID)
    b2 = jnp.zeros((D_OUT,), dtype=jnp.float32)
    return {"x": x, "n_id": n_id, "src1": src1, "dst1": dst1, "src2": src2, "dst2": dst2,
            "W_l1": W_l1, "W_r1": W_r1, "b1": b1, "W_l2": W_l2, "W_r2": W_r2, "b2": b2}


def _sage_conv(h, src, dst, n_dst, W_l, W_r, b):
    # SAGEConv with mean aggregation, normalize=False, bipartite (target nodes are prefix of source nodes)
    msgs = jnp.take(h, src, axis=0)
    sums = jax.ops.segment_sum(msgs, dst, num_segments=n_dst)
    cnt = jax.ops.segment_sum(jnp.ones((src.shape[0],), dtype=h.dtype), dst, num_segments=n_dst)
    mean = sums / jnp.maximum(cnt, 1.0)[:, None]
    root = h[:n_dst]
    return mean @ W_l + root @ W_r + b


def reference(x, n_id, src1, dst1, src2, dst2, W_l1, W_r1, b1, W_l2, W_r2, b2):
    # data_flow[0]: x = x[n_id]
    h = jnp.take(x, n_id, axis=0)
    h = jax.nn.relu(_sage_conv(h, src1, dst1, N1, W_l1, W_r1, b1))
    # F.dropout with training=self.training -> identity in eval mode
    out = _sage_conv(h, src2, dst2, N2, W_l2, W_r2, b2)
    return jax.nn.log_softmax(out, axis=1)

if __name__ == "__main__":
    import jax
    _d = setup_inputs()
    print(jax.jit(kernel)(*tuple(_d.values())))

</pallas_src>

<mosaic_0001>
#map = affine_map<(d0, d1) -> (0, 0, 0)>
#map1 = affine_map<(d0, d1) -> (0, 0)>
#map2 = affine_map<(d0, d1) -> (0)>
module attributes {stable_mosaic.version = 14 : i64} {
  func.func @_sc2(%arg0: i32, %arg1: i32, %arg2: memref<2x4096x16xf32, #tpu.memory_space<hbm>>, %arg3: memref<2x4096xf32, #tpu.memory_space<hbm>>, %arg4: memref<4096x16xf32, #tpu.memory_space<hbm>>, %arg5: memref<16xf32, #tpu.memory_space<hbm>>, %arg6: memref<65536xi32, #tpu.memory_space<hbm>>, %arg7: memref<65536xi32, #tpu.memory_space<hbm>>, %arg8: memref<5x1024x16xf32, #tpu.memory_space<hbm>>, %arg9: memref<2x4096x16xf32, #tpu.memory_space<hbm>>, %arg10: memref<64x16xf32, #tpu.memory_space<vmem>>, %arg11: memref<64xf32, #tpu.memory_space<vmem>>, %arg12: memref<256x16xf32, #tpu.memory_space<vmem>>, %arg13: memref<256x16xf32, #tpu.memory_space<vmem>>, %arg14: memref<256xf32, #tpu.memory_space<vmem>>, %arg15: memref<256xf32, #tpu.memory_space<vmem>>, %arg16: memref<256x16xf32, #tpu.memory_space<vmem>>, %arg17: memref<256x16xf32, #tpu.memory_space<vmem>>, %arg18: memref<16xf32, #tpu.memory_space<vmem>>, %arg19: memref<1024x16xf32, #tpu.memory_space<vmem>>, %arg20: memref<1024x16xf32, #tpu.memory_space<vmem>>, %arg21: memref<2048xi32, #tpu.memory_space<vmem>>, %arg22: memref<2048xi32, #tpu.memory_space<vmem>>, %arg23: memref<1024xf32, #tpu.memory_space<vmem>>, %arg24: memref<1024x16xf32, #tpu.memory_space<vmem_shared>>, %arg25: memref<1024xf32, #tpu.memory_space<vmem_shared>>, %arg26: memref<!tpu.dma_semaphore, #tpu.memory_space<semaphore_mem>>, %arg27: memref<!tpu.dma_semaphore, #tpu.memory_space<semaphore_mem>>, %arg28: memref<!tpu.dma_semaphore, #tpu.memory_space<semaphore_mem>>, %arg29: memref<!tpu.dma_semaphore, #tpu.memory_space<semaphore_mem>>, %arg30: memref<!tpu.dma_semaphore, #tpu.memory_space<semaphore_mem>>) attributes {dimension_semantics = [#tpu.dimension_semantics<core_parallel>, #tpu.dimension_semantics<subcore_parallel>], iteration_bounds = array<i64: 2, 16>, scalar_prefetch = 0 : i64, scratch_operands = 21 : i64, tpu.core_type = #tpu.core_type<sc_vector_subcore>, window_params = [{transform_indices = #map}, {transform_indices = #map1}, {transform_indices = #map1}, {transform_indices = #map2}, {transform_indices = #map2}, {transform_indices = #map2}, {transform_indices = #map}, {transform_indices = #map}]} {
    %mul3A = arith.constant 2 : i32
    %mul3A_0 = arith.muli %arg1, %mul3A : i32
    %add3A = arith.addi %mul3A_0, %arg0 : i32
    %scan3A = arith.constant 0 : i32
    %scan3A_1 = arith.constant 0 : i32
    %scan3A_2 = arith.constant 64 : i32
    %scan3A_3 = arith.addi %scan3A_1, %scan3A_2 : i32
    %scan3A_4 = arith.constant 1 : i32
    %scan3A_5 = scf.for %scan3A_210 = %scan3A_1 to %scan3A_3 step %scan3A_4 iter_args(%scan3A_211 = %scan3A) -> (i32)  : i32 {
      %broadcast_in_dim3A = arith.constant 0.000000e+00 : f32
      %broadcast_in_dim3A_212 = vector.broadcast %broadcast_in_dim3A : f32 to vector<16xf32>
      %swap3A = arith.index_cast %scan3A_210 : i32 to index
      %swap3A_213 = arith.constant 0 : index
      %swap3A_214 = tpu.vector_load %arg10[%swap3A, %swap3A_213] {strides = array<i32>} : memref<64x16xf32, #tpu.memory_space<vmem>>, vector<16xf32>,
      tpu.vector_store %arg10[%swap3A, %swap3A_213], %broadcast_in_dim3A_212 {strides = array<i32>} : memref<64x16xf32, #tpu.memory_space<vmem>>, vector<16xf32>,
      %scan3A_215 = arith.constant 0 : i32
      scf.yield %scan3A_215 : i32
    }
    %scan3A_6 = arith.constant 64 : i32
    %scan3A_7 = arith.constant 0 : i32
    %scan3A_8 = arith.constant 0 : i32
    %scan3A_9 = arith.constant 4 : i32
    %scan3A_10 = arith.addi %scan3A_8, %scan3A_9 : i32
    %scan3A_11 = arith.constant 1 : i32
    %scan3A_12 = scf.for %scan3A_210 = %scan3A_8 to %scan3A_10 step %scan3A_11 iter_args(%scan3A_211 = %scan3A_7) -> (i32)  : i32 {
      %broadcast_in_dim3A = arith.constant 0.000000e+00 : f32
      %broadcast_in_dim3A_212 = vector.broadcast %broadcast_in_dim3A : f32 to vector<16xf32>
      %mul3A_213 = arith.constant 16 : i32
      %mul3A_214 = arith.muli %scan3A_210, %mul3A_213 : i32
      %swap3A = arith.index_cast %mul3A_214 : i32 to index
      %swap3A_215 = tpu.vector_load %arg11[%swap3A] {strides = array<i32>} : memref<64xf32, #tpu.memory_space<vmem>>, vector<16xf32>,
      tpu.vector_store %arg11[%swap3A], %broadcast_in_dim3A_212 {strides = array<i32>} : memref<64xf32, #tpu.memory_space<vmem>>, vector<16xf32>,
      %scan3A_216 = arith.constant 0 : i32
      scf.yield %scan3A_216 : i32
    }
    %scan3A_13 = arith.constant 4 : i32
    %scan3A_14 = arith.constant 0 : i32
    %scan3A_15 = arith.constant 0 : i32
    %scan3A_16 = arith.constant 64 : i32
    %scan3A_17 = arith.addi %scan3A_15, %scan3A_16 : i32
    %scan3A_18 = arith.constant 1 : i32
    %scan3A_19 = scf.for %scan3A_210 = %scan3A_15 to %scan3A_17 step %scan3A_18 iter_args(%scan3A_211 = %scan3A_14) -> (i32)  : i32 {
      %broadcast_in_dim3A = arith.constant 1.000000e+00 : f32
      %broadcast_in_dim3A_212 = vector.broadcast %broadcast_in_dim3A : f32 to vector<16xf32>
      %mul3A_213 = arith.constant 16 : i32
      %mul3A_214 = arith.muli %scan3A_210, %mul3A_213 : i32
      %swap3A = arith.index_cast %mul3A_214 : i32 to index
      %swap3A_215 = tpu.vector_load %arg23[%swap3A] {strides = array<i32>} : memref<1024xf32, #tpu.memory_space<vmem>>, vector<16xf32>,
      tpu.vector_store %arg23[%swap3A], %broadcast_in_dim3A_212 {strides = array<i32>} : memref<1024xf32, #tpu.memory_space<vmem>>, vector<16xf32>,
      %scan3A_216 = arith.constant 0 : i32
      scf.yield %scan3A_216 : i32
    }
    %scan3A_20 = arith.constant 64 : i32
    %mul3A_21 = arith.constant 64 : i32
    %mul3A_22 = arith.muli %arg1, %mul3A_21 : i32
    %dma_start3A = arith.constant 0 : i32
    %dma_start3A_23 = tpu.memref_slice %arg24[%mul3A_22, %dma_start3A] : memref<1024x16xf32, #tpu.memory_space<vmem_shared>> -> memref<64x16xf32, #tpu.memory_space<vmem_shared>>
    %dma_start3A_24 = arith.constant 0 : i32
    %dma_start3A_25 = tpu.memref_slice %arg24[%mul3A_22, %dma_start3A_24] : memref<1024x16xf32, #tpu.memory_space<vmem_shared>> -> memref<64x16xf32, #tpu.memory_space<vmem_shared>>
    tpu.enqueue_dma source(%arg10 : memref<64x16xf32, #tpu.memory_space<vmem>>) target(%dma_start3A_25 : memref<64x16xf32, #tpu.memory_space<vmem_shared>>) target_semaphore(%arg28 : memref<!tpu.dma_semaphore, #tpu.memory_space<semaphore_mem>>)
    %mul3A_26 = arith.constant 64 : i32
    %mul3A_27 = arith.muli %arg1, %mul3A_26 : i32
    %dma_start3A_28 = tpu.memref_slice %arg25[%mul3A_27] : memref<1024xf32, #tpu.memory_space<vmem_shared>> -> memref<64xf32, #tpu.memory_space<vmem_shared>>
    %dma_start3A_29 = tpu.memref_slice %arg25[%mul3A_27] : memref<1024xf32, #tpu.memory_space<vmem_shared>> -> memref<64xf32, #tpu.memory_space<vmem_shared>>
    tpu.enqueue_dma source(%arg11 : memref<64xf32, #tpu.memory_space<vmem>>) target(%dma_start3A_29 : memref<64xf32, #tpu.memory_space<vmem_shared>>) target_semaphore(%arg29 : memref<!tpu.dma_semaphore, #tpu.memory_space<semaphore_mem>>)
    %mul3A_30 = arith.constant 256 : i32
    %mul3A_31 = arith.muli %arg1, %mul3A_30 : i32
    %dma_start3A_32 = arith.constant 0 : i32
    %dma_start3A_33 = arith.constant 0 : i32
    %dma_start3A_34 = tpu.memref_slice %arg2[%dma_start3A_32, %mul3A_31, %dma_start3A_33] : memref<2x4096x16xf32, #tpu.memory_space<hbm>> -> memref<1x256x16xf32, #tpu.memory_space<hbm>>
    %dma_start3A_35 = tpu.memref_squeeze %dma_start3A_34 : memref<1x256x16xf32, #tpu.memory_space<hbm>> -> memref<256x16xf32, #tpu.memory_space<hbm>>
    %dma_start3A_36 = arith.constant 0 : i32
    %dma_start3A_37 = tpu.memref_slice %arg2[%dma_start3A_32, %mul3A_31, %dma_start3A_36] : memref<2x4096x16xf32, #tpu.memory_space<hbm>> -> memref<1x256x16xf32, #tpu.memory_space<hbm>>
    %dma_start3A_38 = tpu.memref_squeeze %dma_start3A_37 : memref<1x256x16xf32, #tpu.memory_space<hbm>> -> memref<256x16xf32, #tpu.memory_space<hbm>>
    tpu.enqueue_dma source(%dma_start3A_38 : memref<256x16xf32, #tpu.memory_space<hbm>>) target(%arg12 : memref<256x16xf32, #tpu.memory_space<vmem>>) target_semaphore(%arg30 : memref<!tpu.dma_semaphore, #tpu.memory_space<semaphore_mem>>)
    %dma_start3A_39 = arith.constant 1 : i32
    %dma_start3A_40 = arith.constant 0 : i32
    %dma_start3A_41 = tpu.memref_slice %arg2[%dma_start3A_39, %mul3A_31, %dma_start3A_40] : memref<2x4096x16xf32, #tpu.memory_space<hbm>> -> memref<1x256x16xf32, #tpu.memory_space<hbm>>
    %dma_start3A_42 = tpu.memref_squeeze %dma_start3A_41 : memref<1x256x16xf32, #tpu.memory_space<hbm>> -> memref<256x16xf32, #tpu.memory_space<hbm>>
    %dma_start3A_43 = arith.constant 0 : i32
    %dma_start3A_44 = tpu.memref_slice %arg2[%dma_start3A_39, %mul3A_31, %dma_start3A_43] : memref<2x4096x16xf32, #tpu.memory_space<hbm>> -> memref<1x256x16xf32, #tpu.memory_space<hbm>>
    %dma_start3A_45 = tpu.memref_squeeze %dma_start3A_44 : memref<1x256x16xf32, #tpu.memory_space<hbm>> -> memref<256x16xf32, #tpu.memory_space<hbm>>
    tpu.enqueue_dma source(%dma_start3A_45 : memref<256x16xf32, #tpu.memory_space<hbm>>) target(%arg13 : memref<256x16xf32, #tpu.memory_space<vmem>>) target_semaphore(%arg30 : memref<!tpu.dma_semaphore, #tpu.memory_space<semaphore_mem>>)
    %dma_start3A_46 = arith.constant 0 : i32
    %dma_start3A_47 = tpu.memref_slice %arg3[%dma_start3A_46, %mul3A_31] : memref<2x4096xf32, #tpu.memory_space<hbm>> -> memref<1x256xf32, #tpu.memory_space<hbm>>
    %dma_start3A_48 = tpu.memref_squeeze %dma_start3A_47 : memref<1x256xf32, #tpu.memory_space<hbm>> -> memref<256xf32, #tpu.memory_space<hbm>>
    %dma_start3A_49 = tpu.memref_slice %arg3[%dma_start3A_46, %mul3A_31] : memref<2x4096xf32, #tpu.memory_space<hbm>> -> memref<1x256xf32, #tpu.memory_space<hbm>>
    %dma_start3A_50 = tpu.memref_squeeze %dma_start3A_49 : memref<1x256xf32, #tpu.memory_space<hbm>> -> memref<256xf32, #tpu.memory_space<hbm>>
    tpu.enqueue_dma source(%dma_start3A_50 : memref<256xf32, #tpu.memory_space<hbm>>) target(%arg14 : memref<256xf32, #tpu.memory_space<vmem>>) target_semaphore(%arg30 : memref<!tpu.dma_semaphore, #tpu.memory_space<semaphore_mem>>)
    %dma_start3A_51 = arith.constant 1 : i32
    %dma_start3A_52 = tpu.memref_slice %arg3[%dma_start3A_51, %mul3A_31] : memref<2x4096xf32, #tpu.memory_space<hbm>> -> memref<1x256xf32, #tpu.memory_space<hbm>>
    %dma_start3A_53 = tpu.memref_squeeze %dma_start3A_52 : memref<1x256xf32, #tpu.memory_space<hbm>> -> memref<256xf32, #tpu.memory_space<hbm>>
    %dma_start3A_54 = tpu.memref_slice %arg3[%dma_start3A_51, %mul3A_31] : memref<2x4096xf32, #tpu.memory_space<hbm>> -> memref<1x256xf32, #tpu.memory_space<hbm>>
    %dma_start3A_55 = tpu.memref_squeeze %dma_start3A_54 : memref<1x256xf32, #tpu.memory_space<hbm>> -> memref<256xf32, #tpu.memory_space<hbm>>
    tpu.enqueue_dma source(%dma_start3A_55 : memref<256xf32, #tpu.memory_space<hbm>>) target(%arg15 : memref<256xf32, #tpu.memory_space<vmem>>) target_semaphore(%arg30 : memref<!tpu.dma_semaphore, #tpu.memory_space<semaphore_mem>>)
    %dma_start3A_56 = arith.constant 0 : i32
    %dma_start3A_57 = tpu.memref_slice %arg4[%mul3A_31, %dma_start3A_56] : memref<4096x16xf32, #tpu.memory_space<hbm>> -> memref<256x16xf32, #tpu.memory_space<hbm>>
    %dma_start3A_58 = arith.constant 0 : i32
    %dma_start3A_59 = tpu.memref_slice %arg4[%mul3A_31, %dma_start3A_58] : memref<4096x16xf32, #tpu.memory_space<hbm>> -> memref<256x16xf32, #tpu.memory_space<hbm>>
    tpu.enqueue_dma source(%dma_start3A_59 : memref<256x16xf32, #tpu.memory_space<hbm>>) target(%arg16 : memref<256x16xf32, #tpu.memory_space<vmem>>) target_semaphore(%arg30 : memref<!tpu.dma_semaphore, #tpu.memory_space<semaphore_mem>>)
    tpu.enqueue_dma source(%arg5 : memref<16xf32, #tpu.memory_space<hbm>>) target(%arg18 : memref<16xf32, #tpu.memory_space<vmem>>) target_semaphore(%arg30 : memref<!tpu.dma_semaphore, #tpu.memory_space<semaphore_mem>>)
    %dma_wait3A = arith.constant 0 : i32
    %dma_wait3A_60 = arith.constant 0 : i32
    %dma_wait3A_61 = tpu.memref_slice %arg2[%dma_wait3A, %mul3A_31, %dma_wait3A_60] : memref<2x4096x16xf32, #tpu.memory_space<hbm>> -> memref<1x256x16xf32, #tpu.memory_space<hbm>>
    %dma_wait3A_62 = tpu.memref_squeeze %dma_wait3A_61 : memref<1x256x16xf32, #tpu.memory_space<hbm>> -> memref<256x16xf32, #tpu.memory_space<hbm>>
    %dma_wait3A_63 = arith.constant 0 : i32
    %dma_wait3A_64 = tpu.memref_slice %arg2[%dma_wait3A, %mul3A_31, %dma_wait3A_63] : memref<2x4096x16xf32, #tpu.memory_space<hbm>> -> memref<1x256x16xf32, #tpu.memory_space<hbm>>
    %dma_wait3A_65 = tpu.memref_squeeze %dma_wait3A_64 : memref<1x256x16xf32, #tpu.memory_space<hbm>> -> memref<256x16xf32, #tpu.memory_space<hbm>>
    tpu.wait_dma2 semaphore(%arg30 : memref<!tpu.dma_semaphore, #tpu.memory_space<semaphore_mem>>) src(%dma_wait3A_65 : memref<256x16xf32, #tpu.memory_space<hbm>>) dst(%arg12 : memref<256x16xf32, #tpu.memory_space<vmem>>)
    %dma_wait3A_66 = arith.constant 1 : i32
    %dma_wait3A_67 = arith.constant 0 : i32
    %dma_wait3A_68 = tpu.memref_slice %arg2[%dma_wait3A_66, %mul3A_31, %dma_wait3A_67] : memref<2x4096x16xf32, #tpu.memory_space<hbm>> -> memref<1x256x16xf32, #tpu.memory_space<hbm>>
    %dma_wait3A_69 = tpu.memref_squeeze %dma_wait3A_68 : memref<1x256x16xf32, #tpu.memory_space<hbm>> -> memref<256x16xf32, #tpu.memory_space<hbm>>
    %dma_wait3A_70 = arith.constant 0 : i32
    %dma_wait3A_71 = tpu.memref_slice %arg2[%dma_wait3A_66, %mul3A_31, %dma_wait3A_70] : memref<2x4096x16xf32, #tpu.memory_space<hbm>> -> memref<1x256x16xf32, #tpu.memory_space<hbm>>
    %dma_wait3A_72 = tpu.memref_squeeze %dma_wait3A_71 : memref<1x256x16xf32, #tpu.memory_space<hbm>> -> memref<256x16xf32, #tpu.memory_space<hbm>>
    tpu.wait_dma2 semaphore(%arg30 : memref<!tpu.dma_semaphore, #tpu.memory_space<semaphore_mem>>) src(%dma_wait3A_72 : memref<256x16xf32, #tpu.memory_space<hbm>>) dst(%arg13 : memref<256x16xf32, #tpu.memory_space<vmem>>)
    %dma_wait3A_73 = arith.constant 0 : i32
    %dma_wait3A_74 = tpu.memref_slice %arg3[%dma_wait3A_73, %mul3A_31] : memref<2x4096xf32, #tpu.memory_space<hbm>> -> memref<1x256xf32, #tpu.memory_space<hbm>>
    %dma_wait3A_75 = tpu.memref_squeeze %dma_wait3A_74 : memref<1x256xf32, #tpu.memory_space<hbm>> -> memref<256xf32, #tpu.memory_space<hbm>>
    %dma_wait3A_76 = tpu.memref_slice %arg3[%dma_wait3A_73, %mul3A_31] : memref<2x4096xf32, #tpu.memory_space<hbm>> -> memref<1x256xf32, #tpu.memory_space<hbm>>
    %dma_wait3A_77 = tpu.memref_squeeze %dma_wait3A_76 : memref<1x256xf32, #tpu.memory_space<hbm>> -> memref<256xf32, #tpu.memory_space<hbm>>
    tpu.wait_dma2 semaphore(%arg30 : memref<!tpu.dma_semaphore, #tpu.memory_space<semaphore_mem>>) src(%dma_wait3A_77 : memref<256xf32, #tpu.memory_space<hbm>>) dst(%arg14 : memref<256xf32, #tpu.memory_space<vmem>>)
    %dma_wait3A_78 = arith.constant 1 : i32
    %dma_wait3A_79 = tpu.memref_slice %arg3[%dma_wait3A_78, %mul3A_31] : memref<2x4096xf32, #tpu.memory_space<hbm>> -> memref<1x256xf32, #tpu.memory_space<hbm>>
    %dma_wait3A_80 = tpu.memref_squeeze %dma_wait3A_79 : memref<1x256xf32, #tpu.memory_space<hbm>> -> memref<256xf32, #tpu.memory_space<hbm>>
    %dma_wait3A_81 = tpu.memref_slice %arg3[%dma_wait3A_78, %mul3A_31] : memref<2x4096xf32, #tpu.memory_space<hbm>> -> memref<1x256xf32, #tpu.memory_space<hbm>>
    %dma_wait3A_82 = tpu.memref_squeeze %dma_wait3A_81 : memref<1x256xf32, #tpu.memory_space<hbm>> -> memref<256xf32, #tpu.memory_space<hbm>>
    tpu.wait_dma2 semaphore(%arg30 : memref<!tpu.dma_semaphore, #tpu.memory_space<semaphore_mem>>) src(%dma_wait3A_82 : memref<256xf32, #tpu.memory_space<hbm>>) dst(%arg15 : memref<256xf32, #tpu.memory_space<vmem>>)
    %dma_wait3A_83 = arith.constant 0 : i32
    %dma_wait3A_84 = tpu.memref_slice %arg4[%mul3A_31, %dma_wait3A_83] : memref<4096x16xf32, #tpu.memory_space<hbm>> -> memref<256x16xf32, #tpu.memory_space<hbm>>
    %dma_wait3A_85 = arith.constant 0 : i32
    %dma_wait3A_86 = tpu.memref_slice %arg4[%mul3A_31, %dma_wait3A_85] : memref<4096x16xf32, #tpu.memory_space<hbm>> -> memref<256x16xf32, #tpu.memory_space<hbm>>
    tpu.wait_dma2 semaphore(%arg30 : memref<!tpu.dma_semaphore, #tpu.memory_space<semaphore_mem>>) src(%dma_wait3A_86 : memref<256x16xf32, #tpu.memory_space<hbm>>) dst(%arg16 : memref<256x16xf32, #tpu.memory_space<vmem>>)
    tpu.wait_dma2 semaphore(%arg30 : memref<!tpu.dma_semaphore, #tpu.memory_space<semaphore_mem>>) src(%arg5 : memref<16xf32, #tpu.memory_space<hbm>>) dst(%arg18 : memref<16xf32, #tpu.memory_space<vmem>>)
    %scan3A_87 = arith.constant 0 : i32
    %scan3A_88 = arith.constant 0 : i32
    %scan3A_89 = arith.constant 16 : i32
    %scan3A_90 = arith.addi %scan3A_88, %scan3A_89 : i32
    %scan3A_91 = arith.constant 1 : i32
    %scan3A_92 = scf.for %scan3A_210 = %scan3A_88 to %scan3A_90 step %scan3A_91 iter_args(%scan3A_211 = %scan3A_87) -> (i32)  : i32 {
      %mul3A_212 = arith.constant 16 : i32
      %mul3A_213 = arith.muli %scan3A_210, %mul3A_212 : i32
      %get3A = arith.index_cast %mul3A_213 : i32 to index
      %get3A_214 = tpu.vector_load %arg14[%get3A] {strides = array<i32>} : memref<256xf32, #tpu.memory_space<vmem>>, vector<16xf32>,
      %get3A_215 = arith.index_cast %mul3A_213 : i32 to index
      %get3A_216 = tpu.vector_load %arg15[%get3A_215] {strides = array<i32>} : memref<256xf32, #tpu.memory_space<vmem>>, vector<16xf32>,
      %add3A_217 = arith.addf %get3A_214, %get3A_216 : vector<16xf32>
      %swap3A = arith.index_cast %mul3A_213 : i32 to index
      %swap3A_218 = tpu.vector_load %arg14[%swap3A] {strides = array<i32>} : memref<256xf32, #tpu.memory_space<vmem>>, vector<16xf32>,
      tpu.vector_store %arg14[%swap3A], %add3A_217 {strides = array<i32>} : memref<256xf32, #tpu.memory_space<vmem>>, vector<16xf32>,
      %scan3A_219 = arith.constant 0 : i32
      scf.yield %scan3A_219 : i32
    }
    %scan3A_93 = arith.constant 16 : i32
    %scan3A_94 = arith.constant 0 : i32
    %scan3A_95 = arith.constant 0 : i32
    %scan3A_96 = arith.constant 256 : i32
    %scan3A_97 = arith.addi %scan3A_95, %scan3A_96 : i32
    %scan3A_98 = arith.constant 1 : i32
    %scan3A_99 = scf.for %scan3A_210 = %scan3A_95 to %scan3A_97 step %scan3A_98 iter_args(%scan3A_211 = %scan3A_94) -> (i32)  : i32 {
      %broadcast_in_dim3A = vector.broadcast %scan3A_210 : i32 to vector<16xi32>
      %gather3A = tpu.vector_load_idx %arg14[%broadcast_in_dim3A] : memref<256xf32, #tpu.memory_space<vmem>>[vector<16xi32>], vector<16xf32>,
      %max3A = arith.constant 1.000000e+00 : f32
      %max3A_212 = vector.broadcast %max3A : f32 to vector<16xf32>
      %max3A_213 = arith.maximumf %gather3A, %max3A_212 : vector<16xf32>
      %get3A = arith.index_cast %scan3A_210 : i32 to index
      %get3A_214 = arith.constant 0 : index
      %get3A_215 = tpu.vector_load %arg12[%get3A, %get3A_214] {strides = array<i32>} : memref<256x16xf32, #tpu.memory_space<vmem>>, vector<16xf32>,
      %get3A_216 = arith.index_cast %scan3A_210 : i32 to index
      %get3A_217 = arith.constant 0 : index
      %get3A_218 = tpu.vector_load %arg13[%get3A_216, %get3A_217] {strides = array<i32>} : memref<256x16xf32, #tpu.memory_space<vmem>>, vector<16xf32>,
      %add3A_219 = arith.addf %get3A_215, %get3A_218 : vector<16xf32>
      %div3A = arith.divf %add3A_219, %max3A_213 : vector<16xf32>
      %get3A_220 = arith.index_cast %scan3A_210 : i32 to index
      %get3A_221 = arith.constant 0 : index
      %get3A_222 = tpu.vector_load %arg16[%get3A_220, %get3A_221] {strides = array<i32>} : memref<256x16xf32, #tpu.memory_space<vmem>>, vector<16xf32>,
      %add3A_223 = arith.addf %div3A, %get3A_222 : vector<16xf32>
      %get3A_224 = arith.constant 0 : index
      %get3A_225 = tpu.vector_load %arg18[%get3A_224] {strides = array<i32>} : memref<16xf32, #tpu.memory_space<vmem>>, vector<16xf32>,
      %add3A_226 = arith.addf %add3A_223, %get3A_225 : vector<16xf32>
      %max3A_227 = arith.constant 0.000000e+00 : f32
      %max3A_228 = vector.broadcast %max3A_227 : f32 to vector<16xf32>
      %max3A_229 = arith.maximumf %add3A_226, %max3A_228 : vector<16xf32>
      %swap3A = arith.index_cast %scan3A_210 : i32 to index
      %swap3A_230 = arith.constant 0 : index
      %swap3A_231 = tpu.vector_load %arg17[%swap3A, %swap3A_230] {strides = array<i32>} : memref<256x16xf32, #tpu.memory_space<vmem>>, vector<16xf32>,
      tpu.vector_store %arg17[%swap3A, %swap3A_230], %max3A_229 {strides = array<i32>} : memref<256x16xf32, #tpu.memory_space<vmem>>, vector<16xf32>,
      %scan3A_232 = arith.constant 0 : i32
      scf.yield %scan3A_232 : i32
    }
    %scan3A_100 = arith.constant 256 : i32
    %dma_start3A_101 = arith.constant 0 : i32
    %dma_start3A_102 = tpu.memref_slice %arg9[%arg0, %mul3A_31, %dma_start3A_101] : memref<2x4096x16xf32, #tpu.memory_space<hbm>> -> memref<1x256x16xf32, #tpu.memory_space<hbm>>
    %dma_start3A_103 = tpu.memref_squeeze %dma_start3A_102 : memref<1x256x16xf32, #tpu.memory_space<hbm>> -> memref<256x16xf32, #tpu.memory_space<hbm>>
    %dma_start3A_104 = arith.constant 0 : i32
    %dma_start3A_105 = tpu.memref_slice %arg9[%arg0, %mul3A_31, %dma_start3A_104] : memref<2x4096x16xf32, #tpu.memory_space<hbm>> -> memref<1x256x16xf32, #tpu.memory_space<hbm>>
    %dma_start3A_106 = tpu.memref_squeeze %dma_start3A_105 : memref<1x256x16xf32, #tpu.memory_space<hbm>> -> memref<256x16xf32, #tpu.memory_space<hbm>>
    tpu.enqueue_dma source(%arg17 : memref<256x16xf32, #tpu.memory_space<vmem>>) target(%dma_start3A_106 : memref<256x16xf32, #tpu.memory_space<hbm>>) target_semaphore(%arg30 : memref<!tpu.dma_semaphore, #tpu.memory_space<semaphore_mem>>)
    %lt3A = arith.constant 4 : i32
    %lt3A_107 = arith.cmpi slt, %arg1, %lt3A : i32
    %eq3A = arith.constant 0 : i32
    %eq3A_108 = arith.cmpi eq, %arg0, %eq3A : i32
    %and3A = arith.andi %lt3A_107, %eq3A_108 : i1
    %convert_element_type3A = arith.extui %and3A : i1 to i32
    %cond3A = arith.constant 0 : i32
    %cond3A_109 = arith.cmpi ne, %convert_element_type3A, %cond3A : i32
    scf.if %cond3A_109 {
      %run_scoped3A = arith.constant 4 : i32
      "tpu.region"() ({
        %run_scoped3A_210 = tpu.sem_alloc : memref<!tpu.dma_semaphore, #tpu.memory_space<semaphore_mem>>
        %dma_start3A_211 = arith.constant 0 : i32
        %dma_start3A_212 = tpu.memref_slice %arg8[%run_scoped3A, %mul3A_31, %dma_start3A_211] : memref<5x1024x16xf32, #tpu.memory_space<hbm>> -> memref<1x256x16xf32, #tpu.memory_space<hbm>>
        %dma_start3A_213 = tpu.memref_squeeze %dma_start3A_212 : memref<1x256x16xf32, #tpu.memory_space<hbm>> -> memref<256x16xf32, #tpu.memory_space<hbm>>
        %dma_start3A_214 = arith.constant 0 : i32
        %dma_start3A_215 = tpu.memref_slice %arg8[%run_scoped3A, %mul3A_31, %dma_start3A_214] : memref<5x1024x16xf32, #tpu.memory_space<hbm>> -> memref<1x256x16xf32, #tpu.memory_space<hbm>>
        %dma_start3A_216 = tpu.memref_squeeze %dma_start3A_215 : memref<1x256x16xf32, #tpu.memory_space<hbm>> -> memref<256x16xf32, #tpu.memory_space<hbm>>
        tpu.enqueue_dma source(%arg17 : memref<256x16xf32, #tpu.memory_space<vmem>>) target(%dma_start3A_216 : memref<256x16xf32, #tpu.memory_space<hbm>>) target_semaphore(%run_scoped3A_210 : memref<!tpu.dma_semaphore, #tpu.memory_space<semaphore_mem>>)
        %dma_wait3A_217 = arith.constant 0 : i32
        %dma_wait3A_218 = tpu.memref_slice %arg8[%run_scoped3A, %mul3A_31, %dma_wait3A_217] : memref<5x1024x16xf32, #tpu.memory_space<hbm>> -> memref<1x256x16xf32, #tpu.memory_space<hbm>>
        %dma_wait3A_219 = tpu.memref_squeeze %dma_wait3A_218 : memref<1x256x16xf32, #tpu.memory_space<hbm>> -> memref<256x16xf32, #tpu.memory_space<hbm>>
        %dma_wait3A_220 = arith.constant 0 : i32
        %dma_wait3A_221 = tpu.memref_slice %arg8[%run_scoped3A, %mul3A_31, %dma_wait3A_220] : memref<5x1024x16xf32, #tpu.memory_space<hbm>> -> memref<1x256x16xf32, #tpu.memory_space<hbm>>
        %dma_wait3A_222 = tpu.memref_squeeze %dma_wait3A_221 : memref<1x256x16xf32, #tpu.memory_space<hbm>> -> memref<256x16xf32, #tpu.memory_space<hbm>>
        tpu.wait_dma2 semaphore(%run_scoped3A_210 : memref<!tpu.dma_semaphore, #tpu.memory_space<semaphore_mem>>) src(%arg17 : memref<256x16xf32, #tpu.memory_space<vmem>>) dst(%dma_wait3A_222 : memref<256x16xf32, #tpu.memory_space<hbm>>)
        tpu.yield
      }) : () -> ()
    } else {
    }
    %dma_wait3A_110 = arith.constant 0 : i32
    %dma_wait3A_111 = tpu.memref_slice %arg24[%mul3A_22, %dma_wait3A_110] : memref<1024x16xf32, #tpu.memory_space<vmem_shared>> -> memref<64x16xf32, #tpu.memory_space<vmem_shared>>
    %dma_wait3A_112 = arith.constant 0 : i32
    %dma_wait3A_113 = tpu.memref_slice %arg24[%mul3A_22, %dma_wait3A_112] : memref<1024x16xf32, #tpu.memory_space<vmem_shared>> -> memref<64x16xf32, #tpu.memory_space<vmem_shared>>
    tpu.wait_dma2 semaphore(%arg28 : memref<!tpu.dma_semaphore, #tpu.memory_space<semaphore_mem>>) src(%arg10 : memref<64x16xf32, #tpu.memory_space<vmem>>) dst(%dma_wait3A_113 : memref<64x16xf32, #tpu.memory_space<vmem_shared>>)
    %dma_wait3A_114 = tpu.memref_slice %arg25[%mul3A_27] : memref<1024xf32, #tpu.memory_space<vmem_shared>> -> memref<64xf32, #tpu.memory_space<vmem_shared>>
    %dma_wait3A_115 = tpu.memref_slice %arg25[%mul3A_27] : memref<1024xf32, #tpu.memory_space<vmem_shared>> -> memref<64xf32, #tpu.memory_space<vmem_shared>>
    tpu.wait_dma2 semaphore(%arg29 : memref<!tpu.dma_semaphore, #tpu.memory_space<semaphore_mem>>) src(%arg11 : memref<64xf32, #tpu.memory_space<vmem>>) dst(%dma_wait3A_115 : memref<64xf32, #tpu.memory_space<vmem_shared>>)
    %dma_wait3A_116 = arith.constant 0 : i32
    %dma_wait3A_117 = tpu.memref_slice %arg9[%arg0, %mul3A_31, %dma_wait3A_116] : memref<2x4096x16xf32, #tpu.memory_space<hbm>> -> memref<1x256x16xf32, #tpu.memory_space<hbm>>
    %dma_wait3A_118 = tpu.memref_squeeze %dma_wait3A_117 : memref<1x256x16xf32, #tpu.memory_space<hbm>> -> memref<256x16xf32, #tpu.memory_space<hbm>>
    %dma_wait3A_119 = arith.constant 0 : i32
    %dma_wait3A_120 = tpu.memref_slice %arg9[%arg0, %mul3A_31, %dma_wait3A_119] : memref<2x4096x16xf32, #tpu.memory_space<hbm>> -> memref<1x256x16xf32, #tpu.memory_space<hbm>>
    %dma_wait3A_121 = tpu.memref_squeeze %dma_wait3A_120 : memref<1x256x16xf32, #tpu.memory_space<hbm>> -> memref<256x16xf32, #tpu.memory_space<hbm>>
    tpu.wait_dma2 semaphore(%arg30 : memref<!tpu.dma_semaphore, #tpu.memory_space<semaphore_mem>>) src(%arg17 : memref<256x16xf32, #tpu.memory_space<vmem>>) dst(%dma_wait3A_121 : memref<256x16xf32, #tpu.memory_space<hbm>>)
    %barrier3A = arith.constant 0 : index
    tpu.barrier barrier_id(%barrier3A)
    %mul3A_122 = arith.constant 2048 : i32
    %mul3A_123 = arith.muli %add3A, %mul3A_122 : i32
    "tpu.region"() ({
      %run_scoped3A = tpu.sem_alloc : memref<!tpu.dma_semaphore, #tpu.memory_space<semaphore_mem>>
      %dma_start3A_210 = tpu.memref_slice %arg6[%mul3A_123] : memref<65536xi32, #tpu.memory_space<hbm>> -> memref<2048xi32, #tpu.memory_space<hbm>>
      %dma_start3A_211 = tpu.memref_slice %arg6[%mul3A_123] : memref<65536xi32, #tpu.memory_space<hbm>> -> memref<2048xi32, #tpu.memory_space<hbm>>
      tpu.enqueue_dma source(%dma_start3A_211 : memref<2048xi32, #tpu.memory_space<hbm>>) target(%arg21 : memref<2048xi32, #tpu.memory_space<vmem>>) target_semaphore(%run_scoped3A : memref<!tpu.dma_semaphore, #tpu.memory_space<semaphore_mem>>)
      %dma_wait3A_212 = tpu.memref_slice %arg6[%mul3A_123] : memref<65536xi32, #tpu.memory_space<hbm>> -> memref<2048xi32, #tpu.memory_space<hbm>>
      %dma_wait3A_213 = tpu.memref_slice %arg6[%mul3A_123] : memref<65536xi32, #tpu.memory_space<hbm>> -> memref<2048xi32, #tpu.memory_space<hbm>>
      tpu.wait_dma2 semaphore(%run_scoped3A : memref<!tpu.dma_semaphore, #tpu.memory_space<semaphore_mem>>) src(%dma_wait3A_213 : memref<2048xi32, #tpu.memory_space<hbm>>) dst(%arg21 : memref<2048xi32, #tpu.memory_space<vmem>>)
      tpu.yield
    }) : () -> ()
    %mul3A_124 = arith.constant 2048 : i32
    %mul3A_125 = arith.muli %add3A, %mul3A_124 : i32
    "tpu.region"() ({
      %run_scoped3A = tpu.sem_alloc : memref<!tpu.dma_semaphore, #tpu.memory_space<semaphore_mem>>
      %dma_start3A_210 = tpu.memref_slice %arg7[%mul3A_125] : memref<65536xi32, #tpu.memory_space<hbm>> -> memref<2048xi32, #tpu.memory_space<hbm>>
      %dma_start3A_211 = tpu.memref_slice %arg7[%mul3A_125] : memref<65536xi32, #tpu.memory_space<hbm>> -> memref<2048xi32, #tpu.memory_space<hbm>>
      tpu.enqueue_dma source(%dma_start3A_211 : memref<2048xi32, #tpu.memory_space<hbm>>) target(%arg22 : memref<2048xi32, #tpu.memory_space<vmem>>) target_semaphore(%run_scoped3A : memref<!tpu.dma_semaphore, #tpu.memory_space<semaphore_mem>>)
      %dma_wait3A_212 = tpu.memref_slice %arg7[%mul3A_125] : memref<65536xi32, #tpu.memory_space<hbm>> -> memref<2048xi32, #tpu.memory_space<hbm>>
      %dma_wait3A_213 = tpu.memref_slice %arg7[%mul3A_125] : memref<65536xi32, #tpu.memory_space<hbm>> -> memref<2048xi32, #tpu.memory_space<hbm>>
      tpu.wait_dma2 semaphore(%run_scoped3A : memref<!tpu.dma_semaphore, #tpu.memory_space<semaphore_mem>>) src(%dma_wait3A_213 : memref<2048xi32, #tpu.memory_space<hbm>>) dst(%arg22 : memref<2048xi32, #tpu.memory_space<vmem>>)
      tpu.yield
    }) : () -> ()
    %dma_start3A_126 = arith.constant 0 : i32
    %dma_start3A_127 = tpu.memref_slice %arg21[%dma_start3A_126] : memref<2048xi32, #tpu.memory_space<vmem>> -> memref<1024xi32, #tpu.memory_space<vmem>>
    %dma_start3A_128 = arith.constant 0 : i32
    %dma_start3A_129 = arith.constant 0 : i32
    %dma_start3A_130 = tpu.memref_slice %arg9[%arg0, %dma_start3A_128, %dma_start3A_129] : memref<2x4096x16xf32, #tpu.memory_space<hbm>> -> memref<1x4096x16xf32, #tpu.memory_space<hbm>>
    %dma_start3A_131 = tpu.memref_squeeze %dma_start3A_130 : memref<1x4096x16xf32, #tpu.memory_space<hbm>> -> memref<4096x16xf32, #tpu.memory_space<hbm>>
    %dma_start3A_132 = arith.constant 0 : i32
    %dma_start3A_133 = arith.constant 0 : i32
    %dma_start3A_134 = tpu.memref_slice %dma_start3A_131[%dma_start3A_132, %dma_start3A_133] : memref<4096x16xf32, #tpu.memory_space<hbm>> -> memref<4096x16xf32, #tpu.memory_space<hbm>>
    tpu.enqueue_indirect_dma source(%dma_start3A_134 : memref<4096x16xf32, #tpu.memory_space<hbm>>) target(%arg19 : memref<1024x16xf32, #tpu.memory_space<vmem>>) offsets(%dma_start3A_127 : memref<1024xi32, #tpu.memory_space<vmem>>) semaphore(%arg26 : memref<!tpu.dma_semaphore, #tpu.memory_space<semaphore_mem>>)
    %dma_start3A_135 = arith.constant 1024 : i32
    %dma_start3A_136 = tpu.memref_slice %arg21[%dma_start3A_135] : memref<2048xi32, #tpu.memory_space<vmem>> -> memref<1024xi32, #tpu.memory_space<vmem>>
    %dma_start3A_137 = arith.constant 0 : i32
    %dma_start3A_138 = arith.constant 0 : i32
    %dma_start3A_139 = tpu.memref_slice %arg9[%arg0, %dma_start3A_137, %dma_start3A_138] : memref<2x4096x16xf32, #tpu.memory_space<hbm>> -> memref<1x4096x16xf32, #tpu.memory_space<hbm>>
    %dma_start3A_140 = tpu.memref_squeeze %dma_start3A_139 : memref<1x4096x16xf32, #tpu.memory_space<hbm>> -> memref<4096x16xf32, #tpu.memory_space<hbm>>
    %dma_start3A_141 = arith.constant 0 : i32
    %dma_start3A_142 = arith.constant 0 : i32
    %dma_start3A_143 = tpu.memref_slice %dma_start3A_140[%dma_start3A_141, %dma_start3A_142] : memref<4096x16xf32, #tpu.memory_space<hbm>> -> memref<4096x16xf32, #tpu.memory_space<hbm>>
    tpu.enqueue_indirect_dma source(%dma_start3A_143 : memref<4096x16xf32, #tpu.memory_space<hbm>>) target(%arg20 : memref<1024x16xf32, #tpu.memory_space<vmem>>) offsets(%dma_start3A_136 : memref<1024xi32, #tpu.memory_space<vmem>>) semaphore(%arg27 : memref<!tpu.dma_semaphore, #tpu.memory_space<semaphore_mem>>)
    %dma_wait3A_144 = arith.constant 0 : i32
    %dma_wait3A_145 = tpu.memref_slice %arg21[%dma_wait3A_144] : memref<2048xi32, #tpu.memory_space<vmem>> -> memref<1024xi32, #tpu.memory_space<vmem>>
    %dma_wait3A_146 = arith.constant 0 : i32
    %dma_wait3A_147 = arith.constant 0 : i32
    %dma_wait3A_148 = tpu.memref_slice %arg9[%arg0, %dma_wait3A_146, %dma_wait3A_147] : memref<2x4096x16xf32, #tpu.memory_space<hbm>> -> memref<1x4096x16xf32, #tpu.memory_space<hbm>>
    %dma_wait3A_149 = tpu.memref_squeeze %dma_wait3A_148 : memref<1x4096x16xf32, #tpu.memory_space<hbm>> -> memref<4096x16xf32, #tpu.memory_space<hbm>>
    %dma_wait3A_150 = arith.constant 0 : i32
    %dma_wait3A_151 = arith.constant 0 : i32
    %dma_wait3A_152 = tpu.memref_slice %dma_wait3A_149[%dma_wait3A_150, %dma_wait3A_151] : memref<4096x16xf32, #tpu.memory_space<hbm>> -> memref<4096x16xf32, #tpu.memory_space<hbm>>
    tpu.wait_indirect_dma semaphore(%arg26 : memref<!tpu.dma_semaphore, #tpu.memory_space<semaphore_mem>>) src(%dma_wait3A_152 : memref<4096x16xf32, #tpu.memory_space<hbm>>) dst(%arg19 : memref<1024x16xf32, #tpu.memory_space<vmem>>)
    %dma_start3A_153 = arith.constant 0 : i32
    %dma_start3A_154 = tpu.memref_slice %arg22[%dma_start3A_153] : memref<2048xi32, #tpu.memory_space<vmem>> -> memref<1024xi32, #tpu.memory_space<vmem>>
    %dma_start3A_155 = arith.constant 0 : i32
    %dma_start3A_156 = arith.constant 0 : i32
    %dma_start3A_157 = tpu.memref_slice %arg24[%dma_start3A_155, %dma_start3A_156] : memref<1024x16xf32, #tpu.memory_space<vmem_shared>> -> memref<1024x16xf32, #tpu.memory_space<vmem_shared>>
    tpu.enqueue_indirect_dma source(%arg19 : memref<1024x16xf32, #tpu.memory_space<vmem>>) target(%dma_start3A_157 : memref<1024x16xf32, #tpu.memory_space<vmem_shared>>) offsets(%dma_start3A_154 : memref<1024xi32, #tpu.memory_space<vmem>>) semaphore(%arg28 : memref<!tpu.dma_semaphore, #tpu.memory_space<semaphore_mem>>) {add = true}
    %dma_start3A_158 = arith.constant 0 : i32
    %dma_start3A_159 = tpu.memref_slice %arg22[%dma_start3A_158] : memref<2048xi32, #tpu.memory_space<vmem>> -> memref<1024xi32, #tpu.memory_space<vmem>>
    %dma_start3A_160 = arith.constant 0 : i32
    %dma_start3A_161 = tpu.memref_slice %arg25[%dma_start3A_160] : memref<1024xf32, #tpu.memory_space<vmem_shared>> -> memref<1024xf32, #tpu.memory_space<vmem_shared>>
    tpu.enqueue_indirect_dma source(%arg23 : memref<1024xf32, #tpu.memory_space<vmem>>) target(%dma_start3A_161 : memref<1024xf32, #tpu.memory_space<vmem_shared>>) offsets(%dma_start3A_159 : memref<1024xi32, #tpu.memory_space<vmem>>) semaphore(%arg30 : memref<!tpu.dma_semaphore, #tpu.memory_space<semaphore_mem>>) {add = true}
    %dma_wait3A_162 = arith.constant 1024 : i32
    %dma_wait3A_163 = tpu.memref_slice %arg21[%dma_wait3A_162] : memref<2048xi32, #tpu.memory_space<vmem>> -> memref<1024xi32, #tpu.memory_space<vmem>>
    %dma_wait3A_164 = arith.constant 0 : i32
    %dma_wait3A_165 = arith.constant 0 : i32
    %dma_wait3A_166 = tpu.memref_slice %arg9[%arg0, %dma_wait3A_164, %dma_wait3A_165] : memref<2x4096x16xf32, #tpu.memory_space<hbm>> -> memref<1x4096x16xf32, #tpu.memory_space<hbm>>
    %dma_wait3A_167 = tpu.memref_squeeze %dma_wait3A_166 : memref<1x4096x16xf32, #tpu.memory_space<hbm>> -> memref<4096x16xf32, #tpu.memory_space<hbm>>
    %dma_wait3A_168 = arith.constant 0 : i32
    %dma_wait3A_169 = arith.constant 0 : i32
    %dma_wait3A_170 = tpu.memref_slice %dma_wait3A_167[%dma_wait3A_168, %dma_wait3A_169] : memref<4096x16xf32, #tpu.memory_space<hbm>> -> memref<4096x16xf32, #tpu.memory_space<hbm>>
    tpu.wait_indirect_dma semaphore(%arg27 : memref<!tpu.dma_semaphore, #tpu.memory_space<semaphore_mem>>) src(%dma_wait3A_170 : memref<4096x16xf32, #tpu.memory_space<hbm>>) dst(%arg20 : memref<1024x16xf32, #tpu.memory_space<vmem>>)
    %dma_start3A_171 = arith.constant 1024 : i32
    %dma_start3A_172 = tpu.memref_slice %arg22[%dma_start3A_171] : memref<2048xi32, #tpu.memory_space<vmem>> -> memref<1024xi32, #tpu.memory_space<vmem>>
    %dma_start3A_173 = arith.constant 0 : i32
    %dma_start3A_174 = arith.constant 0 : i32
    %dma_start3A_175 = tpu.memref_slice %arg24[%dma_start3A_173, %dma_start3A_174] : memref<1024x16xf32, #tpu.memory_space<vmem_shared>> -> memref<1024x16xf32, #tpu.memory_space<vmem_shared>>
    tpu.enqueue_indirect_dma source(%arg20 : memref<1024x16xf32, #tpu.memory_space<vmem>>) target(%dma_start3A_175 : memref<1024x16xf32, #tpu.memory_space<vmem_shared>>) offsets(%dma_start3A_172 : memref<1024xi32, #tpu.memory_space<vmem>>) semaphore(%arg29 : memref<!tpu.dma_semaphore, #tpu.memory_space<semaphore_mem>>) {add = true}
    %dma_start3A_176 = arith.constant 1024 : i32
    %dma_start3A_177 = tpu.memref_slice %arg22[%dma_start3A_176] : memref<2048xi32, #tpu.memory_space<vmem>> -> memref<1024xi32, #tpu.memory_space<vmem>>
    %dma_start3A_178 = arith.constant 0 : i32
    %dma_start3A_179 = tpu.memref_slice %arg25[%dma_start3A_178] : memref<1024xf32, #tpu.memory_space<vmem_shared>> -> memref<1024xf32, #tpu.memory_space<vmem_shared>>
    tpu.enqueue_indirect_dma source(%arg23 : memref<1024xf32, #tpu.memory_space<vmem>>) target(%dma_start3A_179 : memref<1024xf32, #tpu.memory_space<vmem_shared>>) offsets(%dma_start3A_177 : memref<1024xi32, #tpu.memory_space<vmem>>) semaphore(%arg30 : memref<!tpu.dma_semaphore, #tpu.memory_space<semaphore_mem>>) {add = true}
    %dma_wait3A_180 = arith.constant 0 : i32
    %dma_wait3A_181 = tpu.memref_slice %arg22[%dma_wait3A_180] : memref<2048xi32, #tpu.memory_space<vmem>> -> memref<1024xi32, #tpu.memory_space<vmem>>
    %dma_wait3A_182 = arith.constant 0 : i32
    %dma_wait3A_183 = arith.constant 0 : i32
    %dma_wait3A_184 = tpu.memref_slice %arg24[%dma_wait3A_182, %dma_wait3A_183] : memref<1024x16xf32, #tpu.memory_space<vmem_shared>> -> memref<1024x16xf32, #tpu.memory_space<vmem_shared>>
    tpu.wait_indirect_dma semaphore(%arg28 : memref<!tpu.dma_semaphore, #tpu.memory_space<semaphore_mem>>) src(%arg19 : memref<1024x16xf32, #tpu.memory_space<vmem>>) dst(%dma_wait3A_184 : memref<1024x16xf32, #tpu.memory_space<vmem_shared>>)
    %dma_wait3A_185 = arith.constant 0 : i32
    %dma_wait3A_186 = tpu.memref_slice %arg22[%dma_wait3A_185] : memref<2048xi32, #tpu.memory_space<vmem>> -> memref<1024xi32, #tpu.memory_space<vmem>>
    %dma_wait3A_187 = arith.constant 0 : i32
    %dma_wait3A_188 = tpu.memref_slice %arg25[%dma_wait3A_187] : memref<1024xf32, #tpu.memory_space<vmem_shared>> -> memref<1024xf32, #tpu.memory_space<vmem_shared>>
    tpu.wait_indirect_dma semaphore(%arg30 : memref<!tpu.dma_semaphore, #tpu.memory_space<semaphore_mem>>) src(%arg23 : memref<1024xf32, #tpu.memory_space<vmem>>) dst(%dma_wait3A_188 : memref<1024xf32, #tpu.memory_space<vmem_shared>>)
    %dma_wait3A_189 = arith.constant 1024 : i32
    %dma_wait3A_190 = tpu.memref_slice %arg22[%dma_wait3A_189] : memref<2048xi32, #tpu.memory_space<vmem>> -> memref<1024xi32, #tpu.memory_space<vmem>>
    %dma_wait3A_191 = arith.constant 0 : i32
    %dma_wait3A_192 = arith.constant 0 : i32
    %dma_wait3A_193 = tpu.memref_slice %arg24[%dma_wait3A_191, %dma_wait3A_192] : memref<1024x16xf32, #tpu.memory_space<vmem_shared>> -> memref<1024x16xf32, #tpu.memory_space<vmem_shared>>
    tpu.wait_indirect_dma semaphore(%arg29 : memref<!tpu.dma_semaphore, #tpu.memory_space<semaphore_mem>>) src(%arg20 : memref<1024x16xf32, #tpu.memory_space<vmem>>) dst(%dma_wait3A_193 : memref<1024x16xf32, #tpu.memory_space<vmem_shared>>)
    %dma_wait3A_194 = arith.constant 1024 : i32
    %dma_wait3A_195 = tpu.memref_slice %arg22[%dma_wait3A_194] : memref<2048xi32, #tpu.memory_space<vmem>> -> memref<1024xi32, #tpu.memory_space<vmem>>
    %dma_wait3A_196 = arith.constant 0 : i32
    %dma_wait3A_197 = tpu.memref_slice %arg25[%dma_wait3A_196] : memref<1024xf32, #tpu.memory_space<vmem_shared>> -> memref<1024xf32, #tpu.memory_space<vmem_shared>>
    tpu.wait_indirect_dma semaphore(%arg30 : memref<!tpu.dma_semaphore, #tpu.memory_space<semaphore_mem>>) src(%arg23 : memref<1024xf32, #tpu.memory_space<vmem>>) dst(%dma_wait3A_197 : memref<1024xf32, #tpu.memory_space<vmem_shared>>)
    %barrier3A_198 = arith.constant 0 : index
    tpu.barrier barrier_id(%barrier3A_198)
    %mul3A_199 = arith.constant 64 : i32
    %mul3A_200 = arith.muli %arg1, %mul3A_199 : i32
    "tpu.region"() ({
      %run_scoped3A = tpu.sem_alloc : memref<!tpu.dma_semaphore, #tpu.memory_space<semaphore_mem>>
      %dma_start3A_210 = arith.constant 0 : i32
      %dma_start3A_211 = arith.constant 0 : i32
      %dma_start3A_212 = tpu.memref_slice %arg19[%dma_start3A_210, %dma_start3A_211] : memref<1024x16xf32, #tpu.memory_space<vmem>> -> memref<64x16xf32, #tpu.memory_space<vmem>>
      %dma_start3A_213 = arith.constant 0 : i32
      %dma_start3A_214 = tpu.memref_slice %arg24[%mul3A_200, %dma_start3A_213] : memref<1024x16xf32, #tpu.memory_space<vmem_shared>> -> memref<64x16xf32, #tpu.memory_space<vmem_shared>>
      %dma_start3A_215 = arith.constant 0 : i32
      %dma_start3A_216 = arith.constant 0 : i32
      %dma_start3A_217 = tpu.memref_slice %arg19[%dma_start3A_215, %dma_start3A_216] : memref<1024x16xf32, #tpu.memory_space<vmem>> -> memref<64x16xf32, #tpu.memory_space<vmem>>
      %dma_start3A_218 = arith.constant 0 : i32
      %dma_start3A_219 = tpu.memref_slice %arg24[%mul3A_200, %dma_start3A_218] : memref<1024x16xf32, #tpu.memory_space<vmem_shared>> -> memref<64x16xf32, #tpu.memory_space<vmem_shared>>
      tpu.enqueue_dma source(%dma_start3A_219 : memref<64x16xf32, #tpu.memory_space<vmem_shared>>) target(%dma_start3A_217 : memref<64x16xf32, #tpu.memory_space<vmem>>) target_semaphore(%run_scoped3A : memref<!tpu.dma_semaphore, #tpu.memory_space<semaphore_mem>>)
      %dma_wait3A_220 = arith.constant 0 : i32
      %dma_wait3A_221 = arith.constant 0 : i32
      %dma_wait3A_222 = tpu.memref_slice %arg19[%dma_wait3A_220, %dma_wait3A_221] : memref<1024x16xf32, #tpu.memory_space<vmem>> -> memref<64x16xf32, #tpu.memory_space<vmem>>
      %dma_wait3A_223 = arith.constant 0 : i32
      %dma_wait3A_224 = tpu.memref_slice %arg24[%mul3A_200, %dma_wait3A_223] : memref<1024x16xf32, #tpu.memory_space<vmem_shared>> -> memref<64x16xf32, #tpu.memory_space<vmem_shared>>
      %dma_wait3A_225 = arith.constant 0 : i32
      %dma_wait3A_226 = arith.constant 0 : i32
      %dma_wait3A_227 = tpu.memref_slice %arg19[%dma_wait3A_225, %dma_wait3A_226] : memref<1024x16xf32, #tpu.memory_space<vmem>> -> memref<64x16xf32, #tpu.memory_space<vmem>>
      %dma_wait3A_228 = arith.constant 0 : i32
      %dma_wait3A_229 = tpu.memref_slice %arg24[%mul3A_200, %dma_wait3A_228] : memref<1024x16xf32, #tpu.memory_space<vmem_shared>> -> memref<64x16xf32, #tpu.memory_space<vmem_shared>>
      tpu.wait_dma2 semaphore(%run_scoped3A : memref<!tpu.dma_semaphore, #tpu.memory_space<semaphore_mem>>) src(%dma_wait3A_229 : memref<64x16xf32, #tpu.memory_space<vmem_shared>>) dst(%dma_wait3A_227 : memref<64x16xf32, #tpu.memory_space<vmem>>)
      tpu.yield
    }) : () -> ()
    "tpu.region"() ({
      %run_scoped3A = tpu.sem_alloc : memref<!tpu.dma_semaphore, #tpu.memory_space<semaphore_mem>>
      %dma_start3A_210 = arith.constant 0 : i32
      %dma_start3A_211 = arith.constant 0 : i32
      %dma_start3A_212 = tpu.memref_slice %arg19[%dma_start3A_210, %dma_start3A_211] : memref<1024x16xf32, #tpu.memory_space<vmem>> -> memref<64x16xf32, #tpu.memory_space<vmem>>
      %dma_start3A_213 = arith.constant 0 : i32
      %dma_start3A_214 = tpu.memref_slice %arg8[%arg0, %mul3A_200, %dma_start3A_213] : memref<5x1024x16xf32, #tpu.memory_space<hbm>> -> memref<1x64x16xf32, #tpu.memory_space<hbm>>
      %dma_start3A_215 = tpu.memref_squeeze %dma_start3A_214 : memref<1x64x16xf32, #tpu.memory_space<hbm>> -> memref<64x16xf32, #tpu.memory_space<hbm>>
      %dma_start3A_216 = arith.constant 0 : i32
      %dma_start3A_217 = tpu.memref_slice %arg8[%arg0, %mul3A_200, %dma_start3A_216] : memref<5x1024x16xf32, #tpu.memory_space<hbm>> -> memref<1x64x16xf32, #tpu.memory_space<hbm>>
      %dma_start3A_218 = tpu.memref_squeeze %dma_start3A_217 : memref<1x64x16xf32, #tpu.memory_space<hbm>> -> memref<64x16xf32, #tpu.memory_space<hbm>>
      %dma_start3A_219 = arith.constant 0 : i32
      %dma_start3A_220 = arith.constant 0 : i32
      %dma_start3A_221 = tpu.memref_slice %arg19[%dma_start3A_219, %dma_start3A_220] : memref<1024x16xf32, #tpu.memory_space<vmem>> -> memref<64x16xf32, #tpu.memory_space<vmem>>
      tpu.enqueue_dma source(%dma_start3A_221 : memref<64x16xf32, #tpu.memory_space<vmem>>) target(%dma_start3A_218 : memref<64x16xf32, #tpu.memory_space<hbm>>) target_semaphore(%run_scoped3A : memref<!tpu.dma_semaphore, #tpu.memory_space<semaphore_mem>>)
      %dma_wait3A_222 = arith.constant 0 : i32
      %dma_wait3A_223 = arith.constant 0 : i32
      %dma_wait3A_224 = tpu.memref_slice %arg19[%dma_wait3A_222, %dma_wait3A_223] : memref<1024x16xf32, #tpu.memory_space<vmem>> -> memref<64x16xf32, #tpu.memory_space<vmem>>
      %dma_wait3A_225 = arith.constant 0 : i32
      %dma_wait3A_226 = tpu.memref_slice %arg8[%arg0, %mul3A_200, %dma_wait3A_225] : memref<5x1024x16xf32, #tpu.memory_space<hbm>> -> memref<1x64x16xf32, #tpu.memory_space<hbm>>
      %dma_wait3A_227 = tpu.memref_squeeze %dma_wait3A_226 : memref<1x64x16xf32, #tpu.memory_space<hbm>> -> memref<64x16xf32, #tpu.memory_space<hbm>>
      %dma_wait3A_228 = arith.constant 0 : i32
      %dma_wait3A_229 = tpu.memref_slice %arg8[%arg0, %mul3A_200, %dma_wait3A_228] : memref<5x1024x16xf32, #tpu.memory_space<hbm>> -> memref<1x64x16xf32, #tpu.memory_space<hbm>>
      %dma_wait3A_230 = tpu.memref_squeeze %dma_wait3A_229 : memref<1x64x16xf32, #tpu.memory_space<hbm>> -> memref<64x16xf32, #tpu.memory_space<hbm>>
      %dma_wait3A_231 = arith.constant 0 : i32
      %dma_wait3A_232 = arith.constant 0 : i32
      %dma_wait3A_233 = tpu.memref_slice %arg19[%dma_wait3A_231, %dma_wait3A_232] : memref<1024x16xf32, #tpu.memory_space<vmem>> -> memref<64x16xf32, #tpu.memory_space<vmem>>
      tpu.wait_dma2 semaphore(%run_scoped3A : memref<!tpu.dma_semaphore, #tpu.memory_space<semaphore_mem>>) src(%dma_wait3A_233 : memref<64x16xf32, #tpu.memory_space<vmem>>) dst(%dma_wait3A_230 : memref<64x16xf32, #tpu.memory_space<hbm>>)
      tpu.yield
    }) : () -> ()
    "tpu.region"() ({
      %run_scoped3A = tpu.sem_alloc : memref<!tpu.dma_semaphore, #tpu.memory_space<semaphore_mem>>
      %dma_start3A_210 = tpu.memref_slice %arg25[%mul3A_200] : memref<1024xf32, #tpu.memory_space<vmem_shared>> -> memref<64xf32, #tpu.memory_space<vmem_shared>>
      %dma_start3A_211 = tpu.memref_slice %arg25[%mul3A_200] : memref<1024xf32, #tpu.memory_space<vmem_shared>> -> memref<64xf32, #tpu.memory_space<vmem_shared>>
      tpu.enqueue_dma source(%dma_start3A_211 : memref<64xf32, #tpu.memory_space<vmem_shared>>) target(%arg11 : memref<64xf32, #tpu.memory_space<vmem>>) target_semaphore(%run_scoped3A : memref<!tpu.dma_semaphore, #tpu.memory_space<semaphore_mem>>)
      %dma_wait3A_212 = tpu.memref_slice %arg25[%mul3A_200] : memref<1024xf32, #tpu.memory_space<vmem_shared>> -> memref<64xf32, #tpu.memory_space<vmem_shared>>
      %dma_wait3A_213 = tpu.memref_slice %arg25[%mul3A_200] : memref<1024xf32, #tpu.memory_space<vmem_shared>> -> memref<64xf32, #tpu.memory_space<vmem_shared>>
      tpu.wait_dma2 semaphore(%run_scoped3A : memref<!tpu.dma_semaphore, #tpu.memory_space<semaphore_mem>>) src(%dma_wait3A_213 : memref<64xf32, #tpu.memory_space<vmem_shared>>) dst(%arg11 : memref<64xf32, #tpu.memory_space<vmem>>)
      tpu.yield
    }) : () -> ()
    %scan3A_201 = arith.constant 0 : i32
    %scan3A_202 = arith.constant 0 : i32
    %scan3A_203 = arith.constant 64 : i32
    %scan3A_204 = arith.addi %scan3A_202, %scan3A_203 : i32
    %scan3A_205 = arith.constant 1 : i32
    %scan3A_206 = scf.for %scan3A_210 = %scan3A_202 to %scan3A_204 step %scan3A_205 iter_args(%scan3A_211 = %scan3A_201) -> (i32)  : i32 {
      %broadcast_in_dim3A = vector.broadcast %scan3A_210 : i32 to vector<16xi32>
      %gather3A = tpu.vector_load_idx %arg11[%broadcast_in_dim3A] : memref<64xf32, #tpu.memory_space<vmem>>[vector<16xi32>], vector<16xf32>,
      %swap3A = arith.index_cast %scan3A_210 : i32 to index
      %swap3A_212 = arith.constant 0 : index
      %swap3A_213 = tpu.vector_load %arg20[%swap3A, %swap3A_212] {strides = array<i32>} : memref<1024x16xf32, #tpu.memory_space<vmem>>, vector<16xf32>,
      tpu.vector_store %arg20[%swap3A, %swap3A_212], %gather3A {strides = array<i32>} : memref<1024x16xf32, #tpu.memory_space<vmem>>, vector<16xf32>,
      %scan3A_214 = arith.constant 0 : i32
      scf.yield %scan3A_214 : i32
    }
    %scan3A_207 = arith.constant 64 : i32
    %add3A_208 = arith.constant 2 : i32
    %add3A_209 = arith.addi %add3A_208, %arg0 : i32
    "tpu.region"() ({
      %run_scoped3A = tpu.sem_alloc : memref<!tpu.dma_semaphore, #tpu.memory_space<semaphore_mem>>
      %dma_start3A_210 = arith.constant 0 : i32
      %dma_start3A_211 = arith.constant 0 : i32
      %dma_start3A_212 = tpu.memref_slice %arg20[%dma_start3A_210, %dma_start3A_211] : memref<1024x16xf32, #tpu.memory_space<vmem>> -> memref<64x16xf32, #tpu.memory_space<vmem>>
      %dma_start3A_213 = arith.constant 0 : i32
      %dma_start3A_214 = tpu.memref_slice %arg8[%add3A_209, %mul3A_200, %dma_start3A_213] : memref<5x1024x16xf32, #tpu.memory_space<hbm>> -> memref<1x64x16xf32, #tpu.memory_space<hbm>>
      %dma_start3A_215 = tpu.memref_squeeze %dma_start3A_214 : memref<1x64x16xf32, #tpu.memory_space<hbm>> -> memref<64x16xf32, #tpu.memory_space<hbm>>
      %dma_start3A_216 = arith.constant 0 : i32
      %dma_start3A_217 = tpu.memref_slice %arg8[%add3A_209, %mul3A_200, %dma_start3A_216] : memref<5x1024x16xf32, #tpu.memory_space<hbm>> -> memref<1x64x16xf32, #tpu.memory_space<hbm>>
      %dma_start3A_218 = tpu.memref_squeeze %dma_start3A_217 : memref<1x64x16xf32, #tpu.memory_space<hbm>> -> memref<64x16xf32, #tpu.memory_space<hbm>>
      %dma_start3A_219 = arith.constant 0 : i32
      %dma_start3A_220 = arith.constant 0 : i32
      %dma_start3A_221 = tpu.memref_slice %arg20[%dma_start3A_219, %dma_start3A_220] : memref<1024x16xf32, #tpu.memory_space<vmem>> -> memref<64x16xf32, #tpu.memory_space<vmem>>
      tpu.enqueue_dma source(%dma_start3A_221 : memref<64x16xf32, #tpu.memory_space<vmem>>) target(%dma_start3A_218 : memref<64x16xf32, #tpu.memory_space<hbm>>) target_semaphore(%run_scoped3A : memref<!tpu.dma_semaphore, #tpu.memory_space<semaphore_mem>>)
      %dma_wait3A_222 = arith.constant 0 : i32
      %dma_wait3A_223 = arith.constant 0 : i32
      %dma_wait3A_224 = tpu.memref_slice %arg20[%dma_wait3A_222, %dma_wait3A_223] : memref<1024x16xf32, #tpu.memory_space<vmem>> -> memref<64x16xf32, #tpu.memory_space<vmem>>
      %dma_wait3A_225 = arith.constant 0 : i32
      %dma_wait3A_226 = tpu.memref_slice %arg8[%add3A_209, %mul3A_200, %dma_wait3A_225] : memref<5x1024x16xf32, #tpu.memory_space<hbm>> -> memref<1x64x16xf32, #tpu.memory_space<hbm>>
      %dma_wait3A_227 = tpu.memref_squeeze %dma_wait3A_226 : memref<1x64x16xf32, #tpu.memory_space<hbm>> -> memref<64x16xf32, #tpu.memory_space<hbm>>
      %dma_wait3A_228 = arith.constant 0 : i32
      %dma_wait3A_229 = tpu.memref_slice %arg8[%add3A_209, %mul3A_200, %dma_wait3A_228] : memref<5x1024x16xf32, #tpu.memory_space<hbm>> -> memref<1x64x16xf32, #tpu.memory_space<hbm>>
      %dma_wait3A_230 = tpu.memref_squeeze %dma_wait3A_229 : memref<1x64x16xf32, #tpu.memory_space<hbm>> -> memref<64x16xf32, #tpu.memory_space<hbm>>
      %dma_wait3A_231 = arith.constant 0 : i32
      %dma_wait3A_232 = arith.constant 0 : i32
      %dma_wait3A_233 = tpu.memref_slice %arg20[%dma_wait3A_231, %dma_wait3A_232] : memref<1024x16xf32, #tpu.memory_space<vmem>> -> memref<64x16xf32, #tpu.memory_space<vmem>>
      tpu.wait_dma2 semaphore(%run_scoped3A : memref<!tpu.dma_semaphore, #tpu.memory_space<semaphore_mem>>) src(%dma_wait3A_233 : memref<64x16xf32, #tpu.memory_space<vmem>>) dst(%dma_wait3A_230 : memref<64x16xf32, #tpu.memory_space<hbm>>)
      tpu.yield
    }) : () -> ()
    return
  }
}

#map = affine_map<(d0, d1) -> (0, 0)>
#map1 = affine_map<(d0, d1) -> (0)>
#map2 = affine_map<(d0, d1) -> (0, 0, 0)>
module attributes {stable_mosaic.version = 14 : i64} {
  func.func @_sc1(%arg0: i32, %arg1: i32, %arg2: memref<10000x16xf32, #tpu.memory_space<hbm>>, %arg3: memref<10000x16xf32, #tpu.memory_space<hbm>>, %arg4: memref<10000xi32, #tpu.memory_space<hbm>>, %arg5: memref<160000xi32, #tpu.memory_space<hbm>>, %arg6: memref<160000xi32, #tpu.memory_space<hbm>>, %arg7: memref<4096x16xf32, #tpu.memory_space<hbm>>, %arg8: memref<2x10240x16xf32, #tpu.memory_space<hbm>>, %arg9: memref<2x4096x16xf32, #tpu.memory_space<hbm>>, %arg10: memref<2x4096xf32, #tpu.memory_space<hbm>>, %arg11: memref<256x16xf32, #tpu.memory_space<vmem>>, %arg12: memref<256xf32, #tpu.memory_space<vmem>>, %arg13: memref<1024xf32, #tpu.memory_space<vmem>>, %arg14: memref<1024xi32, #tpu.memory_space<vmem>>, %arg15: memref<1024xi32, #tpu.memory_space<vmem>>, %arg16: memref<1000x16xf32, #tpu.memory_space<vmem>>, %arg17: memref<1000x16xf32, #tpu.memory_space<vmem>>, %arg18: memref<1024x16xf32, #tpu.memory_space<vmem>>, %arg19: memref<5000xi32, #tpu.memory_space<vmem>>, %arg20: memref<5000xi32, #tpu.memory_space<vmem>>, %arg21: memref<4096x16xf32, #tpu.memory_space<vmem_shared>>, %arg22: memref<4096xf32, #tpu.memory_space<vmem_shared>>, %arg23: memref<!tpu.dma_semaphore, #tpu.memory_space<semaphore_mem>>, %arg24: memref<!tpu.dma_semaphore, #tpu.memory_space<semaphore_mem>>, %arg25: memref<!tpu.dma_semaphore, #tpu.memory_space<semaphore_mem>>, %arg26: memref<!tpu.dma_semaphore, #tpu.memory_space<semaphore_mem>>, %arg27: memref<!tpu.dma_semaphore, #tpu.memory_space<semaphore_mem>>) attributes {dimension_semantics = [#tpu.dimension_semantics<core_parallel>, #tpu.dimension_semantics<subcore_parallel>], iteration_bounds = array<i64: 2, 16>, scalar_prefetch = 0 : i64, scratch_operands = 17 : i64, tpu.core_type = #tpu.core_type<sc_vector_subcore>, window_params = [{transform_indices = #map}, {transform_indices = #map}, {transform_indices = #map1}, {transform_indices = #map1}, {transform_indices = #map1}, {transform_indices = #map}, {transform_indices = #map2}, {transform_indices = #map2}, {transform_indices = #map}]} {
    %mul3A = arith.constant 2 : i32
    %mul3A_0 = arith.muli %arg1, %mul3A : i32
    %add3A = arith.addi %mul3A_0, %arg0 : i32
    %mul3A_1 = arith.constant 5000 : i32
    %mul3A_2 = arith.muli %add3A, %mul3A_1 : i32
    %dma_start3A = tpu.memref_slice %arg5[%mul3A_2] : memref<160000xi32, #tpu.memory_space<hbm>> -> memref<5000xi32, #tpu.memory_space<hbm>>
    %dma_start3A_3 = tpu.memref_slice %arg5[%mul3A_2] : memref<160000xi32, #tpu.memory_space<hbm>> -> memref<5000xi32, #tpu.memory_space<hbm>>
    tpu.enqueue_dma source(%dma_start3A_3 : memref<5000xi32, #tpu.memory_space<hbm>>) target(%arg19 : memref<5000xi32, #tpu.memory_space<vmem>>) target_semaphore(%arg23 : memref<!tpu.dma_semaphore, #tpu.memory_space<semaphore_mem>>)
    %mul3A_4 = arith.constant 5000 : i32
    %mul3A_5 = arith.muli %add3A, %mul3A_4 : i32
    %dma_start3A_6 = tpu.memref_slice %arg6[%mul3A_5] : memref<160000xi32, #tpu.memory_space<hbm>> -> memref<5000xi32, #tpu.memory_space<hbm>>
    %dma_start3A_7 = tpu.memref_slice %arg6[%mul3A_5] : memref<160000xi32, #tpu.memory_space<hbm>> -> memref<5000xi32, #tpu.memory_space<hbm>>
    tpu.enqueue_dma source(%dma_start3A_7 : memref<5000xi32, #tpu.memory_space<hbm>>) target(%arg20 : memref<5000xi32, #tpu.memory_space<vmem>>) target_semaphore(%arg24 : memref<!tpu.dma_semaphore, #tpu.memory_space<semaphore_mem>>)
    %scan3A = arith.constant 0 : i32
    %scan3A_8 = arith.constant 0 : i32
    %scan3A_9 = arith.constant 256 : i32
    %scan3A_10 = arith.addi %scan3A_8, %scan3A_9 : i32
    %scan3A_11 = arith.constant 1 : i32
    %scan3A_12 = scf.for %scan3A_268 = %scan3A_8 to %scan3A_10 step %scan3A_11 iter_args(%scan3A_269 = %scan3A) -> (i32)  : i32 {
      %broadcast_in_dim3A = arith.constant 0.000000e+00 : f32
      %broadcast_in_dim3A_270 = vector.broadcast %broadcast_in_dim3A : f32 to vector<16xf32>
      %swap3A = arith.index_cast %scan3A_268 : i32 to index
      %swap3A_271 = arith.constant 0 : index
      %swap3A_272 = tpu.vector_load %arg11[%swap3A, %swap3A_271] {strides = array<i32>} : memref<256x16xf32, #tpu.memory_space<vmem>>, vector<16xf32>,
      tpu.vector_store %arg11[%swap3A, %swap3A_271], %broadcast_in_dim3A_270 {strides = array<i32>} : memref<256x16xf32, #tpu.memory_space<vmem>>, vector<16xf32>,
      %scan3A_273 = arith.constant 0 : i32
      scf.yield %scan3A_273 : i32
    }
    %scan3A_13 = arith.constant 256 : i32
    %scan3A_14 = arith.constant 0 : i32
    %scan3A_15 = arith.constant 0 : i32
    %scan3A_16 = arith.constant 16 : i32
    %scan3A_17 = arith.addi %scan3A_15, %scan3A_16 : i32
    %scan3A_18 = arith.constant 1 : i32
    %scan3A_19 = scf.for %scan3A_268 = %scan3A_15 to %scan3A_17 step %scan3A_18 iter_args(%scan3A_269 = %scan3A_14) -> (i32)  : i32 {
      %broadcast_in_dim3A = arith.constant 0.000000e+00 : f32
      %broadcast_in_dim3A_270 = vector.broadcast %broadcast_in_dim3A : f32 to vector<16xf32>
      %mul3A_271 = arith.constant 16 : i32
      %mul3A_272 = arith.muli %scan3A_268, %mul3A_271 : i32
      %swap3A = arith.index_cast %mul3A_272 : i32 to index
      %swap3A_273 = tpu.vector_load %arg12[%swap3A] {strides = array<i32>} : memref<256xf32, #tpu.memory_space<vmem>>, vector<16xf32>,
      tpu.vector_store %arg12[%swap3A], %broadcast_in_dim3A_270 {strides = array<i32>} : memref<256xf32, #tpu.memory_space<vmem>>, vector<16xf32>,
      %scan3A_274 = arith.constant 0 : i32
      scf.yield %scan3A_274 : i32
    }
    %scan3A_20 = arith.constant 16 : i32
    %scan3A_21 = arith.constant 0 : i32
    %scan3A_22 = arith.constant 0 : i32
    %scan3A_23 = arith.constant 64 : i32
    %scan3A_24 = arith.addi %scan3A_22, %scan3A_23 : i32
    %scan3A_25 = arith.constant 1 : i32
    %scan3A_26 = scf.for %scan3A_268 = %scan3A_22 to %scan3A_24 step %scan3A_25 iter_args(%scan3A_269 = %scan3A_21) -> (i32)  : i32 {
      %broadcast_in_dim3A = arith.constant 1.000000e+00 : f32
      %broadcast_in_dim3A_270 = vector.broadcast %broadcast_in_dim3A : f32 to vector<16xf32>
      %mul3A_271 = arith.constant 16 : i32
      %mul3A_272 = arith.muli %scan3A_268, %mul3A_271 : i32
      %swap3A = arith.index_cast %mul3A_272 : i32 to index
      %swap3A_273 = tpu.vector_load %arg13[%swap3A] {strides = array<i32>} : memref<1024xf32, #tpu.memory_space<vmem>>, vector<16xf32>,
      tpu.vector_store %arg13[%swap3A], %broadcast_in_dim3A_270 {strides = array<i32>} : memref<1024xf32, #tpu.memory_space<vmem>>, vector<16xf32>,
      %scan3A_274 = arith.constant 0 : i32
      scf.yield %scan3A_274 : i32
    }
    %scan3A_27 = arith.constant 64 : i32
    %mul3A_28 = arith.constant 256 : i32
    %mul3A_29 = arith.muli %arg1, %mul3A_28 : i32
    %dma_start3A_30 = arith.constant 0 : i32
    %dma_start3A_31 = tpu.memref_slice %arg21[%mul3A_29, %dma_start3A_30] : memref<4096x16xf32, #tpu.memory_space<vmem_shared>> -> memref<256x16xf32, #tpu.memory_space<vmem_shared>>
    %dma_start3A_32 = arith.constant 0 : i32
    %dma_start3A_33 = tpu.memref_slice %arg21[%mul3A_29, %dma_start3A_32] : memref<4096x16xf32, #tpu.memory_space<vmem_shared>> -> memref<256x16xf32, #tpu.memory_space<vmem_shared>>
    tpu.enqueue_dma source(%arg11 : memref<256x16xf32, #tpu.memory_space<vmem>>) target(%dma_start3A_33 : memref<256x16xf32, #tpu.memory_space<vmem_shared>>) target_semaphore(%arg25 : memref<!tpu.dma_semaphore, #tpu.memory_space<semaphore_mem>>)
    %mul3A_34 = arith.constant 256 : i32
    %mul3A_35 = arith.muli %arg1, %mul3A_34 : i32
    %dma_start3A_36 = tpu.memref_slice %arg22[%mul3A_35] : memref<4096xf32, #tpu.memory_space<vmem_shared>> -> memref<256xf32, #tpu.memory_space<vmem_shared>>
    %dma_start3A_37 = tpu.memref_slice %arg22[%mul3A_35] : memref<4096xf32, #tpu.memory_space<vmem_shared>> -> memref<256xf32, #tpu.memory_space<vmem_shared>>
    tpu.enqueue_dma source(%arg12 : memref<256xf32, #tpu.memory_space<vmem>>) target(%dma_start3A_37 : memref<256xf32, #tpu.memory_space<vmem_shared>>) target_semaphore(%arg26 : memref<!tpu.dma_semaphore, #tpu.memory_space<semaphore_mem>>)
    %lt3A = arith.constant 9 : i32
    %lt3A_38 = arith.cmpi slt, %arg1, %lt3A : i32
    %convert_element_type3A = arith.extui %lt3A_38 : i1 to i32
    %cond3A = arith.constant 0 : i32
    %cond3A_39 = arith.cmpi ne, %convert_element_type3A, %cond3A : i32
    scf.if %cond3A_39 {
      %mul3A_268 = arith.constant 1024 : i32
      %mul3A_269 = arith.muli %arg1, %mul3A_268 : i32
      "tpu.region"() ({
        %run_scoped3A = tpu.sem_alloc : memref<!tpu.dma_semaphore, #tpu.memory_space<semaphore_mem>>
        %dma_start3A_272 = tpu.memref_slice %arg4[%mul3A_269] : memref<10000xi32, #tpu.memory_space<hbm>> -> memref<1024xi32, #tpu.memory_space<hbm>>
        %dma_start3A_273 = tpu.memref_slice %arg4[%mul3A_269] : memref<10000xi32, #tpu.memory_space<hbm>> -> memref<1024xi32, #tpu.memory_space<hbm>>
        tpu.enqueue_dma source(%dma_start3A_273 : memref<1024xi32, #tpu.memory_space<hbm>>) target(%arg14 : memref<1024xi32, #tpu.memory_space<vmem>>) target_semaphore(%run_scoped3A : memref<!tpu.dma_semaphore, #tpu.memory_space<semaphore_mem>>)
        %dma_wait3A_274 = tpu.memref_slice %arg4[%mul3A_269] : memref<10000xi32, #tpu.memory_space<hbm>> -> memref<1024xi32, #tpu.memory_space<hbm>>
        %dma_wait3A_275 = tpu.memref_slice %arg4[%mul3A_269] : memref<10000xi32, #tpu.memory_space<hbm>> -> memref<1024xi32, #tpu.memory_space<hbm>>
        tpu.wait_dma2 semaphore(%run_scoped3A : memref<!tpu.dma_semaphore, #tpu.memory_space<semaphore_mem>>) src(%dma_wait3A_275 : memref<1024xi32, #tpu.memory_space<hbm>>) dst(%arg14 : memref<1024xi32, #tpu.memory_space<vmem>>)
        tpu.yield
      }) : () -> ()
      "tpu.region"() ({
        %run_scoped3A = tpu.sem_alloc : memref<!tpu.dma_semaphore, #tpu.memory_space<semaphore_mem>>
        %dma_start3A_272 = arith.constant 0 : i32
        %dma_start3A_273 = arith.constant 0 : i32
        %dma_start3A_274 = tpu.memref_slice %arg2[%dma_start3A_272, %dma_start3A_273] : memref<10000x16xf32, #tpu.memory_space<hbm>> -> memref<10000x16xf32, #tpu.memory_space<hbm>>
        tpu.enqueue_indirect_dma source(%dma_start3A_274 : memref<10000x16xf32, #tpu.memory_space<hbm>>) target(%arg18 : memref<1024x16xf32, #tpu.memory_space<vmem>>) offsets(%arg14 : memref<1024xi32, #tpu.memory_space<vmem>>) semaphore(%run_scoped3A : memref<!tpu.dma_semaphore, #tpu.memory_space<semaphore_mem>>)
        %dma_wait3A_275 = arith.constant 0 : i32
        %dma_wait3A_276 = arith.constant 0 : i32
        %dma_wait3A_277 = tpu.memref_slice %arg2[%dma_wait3A_275, %dma_wait3A_276] : memref<10000x16xf32, #tpu.memory_space<hbm>> -> memref<10000x16xf32, #tpu.memory_space<hbm>>
        tpu.wait_indirect_dma semaphore(%run_scoped3A : memref<!tpu.dma_semaphore, #tpu.memory_space<semaphore_mem>>) src(%dma_wait3A_277 : memref<10000x16xf32, #tpu.memory_space<hbm>>) dst(%arg18 : memref<1024x16xf32, #tpu.memory_space<vmem>>)
        tpu.yield
      }) : () -> ()
      %mul3A_270 = arith.constant 1024 : i32
      %mul3A_271 = arith.muli %arg1, %mul3A_270 : i32
      "tpu.region"() ({
        %run_scoped3A = tpu.sem_alloc : memref<!tpu.dma_semaphore, #tpu.memory_space<semaphore_mem>>
        %dma_start3A_272 = arith.constant 0 : i32
        %dma_start3A_273 = tpu.memref_slice %arg8[%arg0, %mul3A_271, %dma_start3A_272] : memref<2x10240x16xf32, #tpu.memory_space<hbm>> -> memref<1x1024x16xf32, #tpu.memory_space<hbm>>
        %dma_start3A_274 = tpu.memref_squeeze %dma_start3A_273 : memref<1x1024x16xf32, #tpu.memory_space<hbm>> -> memref<1024x16xf32, #tpu.memory_space<hbm>>
        %dma_start3A_275 = arith.constant 0 : i32
        %dma_start3A_276 = tpu.memref_slice %arg8[%arg0, %mul3A_271, %dma_start3A_275] : memref<2x10240x16xf32, #tpu.memory_space<hbm>> -> memref<1x1024x16xf32, #tpu.memory_space<hbm>>
        %dma_start3A_277 = tpu.memref_squeeze %dma_start3A_276 : memref<1x1024x16xf32, #tpu.memory_space<hbm>> -> memref<1024x16xf32, #tpu.memory_space<hbm>>
        tpu.enqueue_dma source(%arg18 : memref<1024x16xf32, #tpu.memory_space<vmem>>) target(%dma_start3A_277 : memref<1024x16xf32, #tpu.memory_space<hbm>>) target_semaphore(%run_scoped3A : memref<!tpu.dma_semaphore, #tpu.memory_space<semaphore_mem>>)
        %dma_wait3A_278 = arith.constant 0 : i32
        %dma_wait3A_279 = tpu.memref_slice %arg8[%arg0, %mul3A_271, %dma_wait3A_278] : memref<2x10240x16xf32, #tpu.memory_space<hbm>> -> memref<1x1024x16xf32, #tpu.memory_space<hbm>>
        %dma_wait3A_280 = tpu.memref_squeeze %dma_wait3A_279 : memref<1x1024x16xf32, #tpu.memory_space<hbm>> -> memref<1024x16xf32, #tpu.memory_space<hbm>>
        %dma_wait3A_281 = arith.constant 0 : i32
        %dma_wait3A_282 = tpu.memref_slice %arg8[%arg0, %mul3A_271, %dma_wait3A_281] : memref<2x10240x16xf32, #tpu.memory_space<hbm>> -> memref<1x1024x16xf32, #tpu.memory_space<hbm>>
        %dma_wait3A_283 = tpu.memref_squeeze %dma_wait3A_282 : memref<1x1024x16xf32, #tpu.memory_space<hbm>> -> memref<1024x16xf32, #tpu.memory_space<hbm>>
        tpu.wait_dma2 semaphore(%run_scoped3A : memref<!tpu.dma_semaphore, #tpu.memory_space<semaphore_mem>>) src(%arg18 : memref<1024x16xf32, #tpu.memory_space<vmem>>) dst(%dma_wait3A_283 : memref<1024x16xf32, #tpu.memory_space<hbm>>)
        tpu.yield
      }) : () -> ()
    } else {
    }
    %eq3A = arith.constant 9 : i32
    %eq3A_40 = arith.cmpi eq, %arg1, %eq3A : i32
    %convert_element_type3A_41 = arith.extui %eq3A_40 : i1 to i32
    %cond3A_42 = arith.constant 0 : i32
    %cond3A_43 = arith.cmpi ne, %convert_element_type3A_41, %cond3A_42 : i32
    scf.if %cond3A_43 {
      "tpu.region"() ({
        %run_scoped3A = tpu.sem_alloc : memref<!tpu.dma_semaphore, #tpu.memory_space<semaphore_mem>>
        %dma_start3A_268 = arith.constant 0 : i32
        %dma_start3A_269 = tpu.memref_slice %arg14[%dma_start3A_268] : memref<1024xi32, #tpu.memory_space<vmem>> -> memref<784xi32, #tpu.memory_space<vmem>>
        %dma_start3A_270 = arith.constant 9216 : i32
        %dma_start3A_271 = tpu.memref_slice %arg4[%dma_start3A_270] : memref<10000xi32, #tpu.memory_space<hbm>> -> memref<784xi32, #tpu.memory_space<hbm>>
        %dma_start3A_272 = arith.constant 0 : i32
        %dma_start3A_273 = tpu.memref_slice %arg14[%dma_start3A_272] : memref<1024xi32, #tpu.memory_space<vmem>> -> memref<784xi32, #tpu.memory_space<vmem>>
        %dma_start3A_274 = arith.constant 9216 : i32
        %dma_start3A_275 = tpu.memref_slice %arg4[%dma_start3A_274] : memref<10000xi32, #tpu.memory_space<hbm>> -> memref<784xi32, #tpu.memory_space<hbm>>
        tpu.enqueue_dma source(%dma_start3A_275 : memref<784xi32, #tpu.memory_space<hbm>>) target(%dma_start3A_273 : memref<784xi32, #tpu.memory_space<vmem>>) target_semaphore(%run_scoped3A : memref<!tpu.dma_semaphore, #tpu.memory_space<semaphore_mem>>)
        %dma_wait3A_276 = arith.constant 0 : i32
        %dma_wait3A_277 = tpu.memref_slice %arg14[%dma_wait3A_276] : memref<1024xi32, #tpu.memory_space<vmem>> -> memref<784xi32, #tpu.memory_space<vmem>>
        %dma_wait3A_278 = arith.constant 9216 : i32
        %dma_wait3A_279 = tpu.memref_slice %arg4[%dma_wait3A_278] : memref<10000xi32, #tpu.memory_space<hbm>> -> memref<784xi32, #tpu.memory_space<hbm>>
        %dma_wait3A_280 = arith.constant 0 : i32
        %dma_wait3A_281 = tpu.memref_slice %arg14[%dma_wait3A_280] : memref<1024xi32, #tpu.memory_space<vmem>> -> memref<784xi32, #tpu.memory_space<vmem>>
        %dma_wait3A_282 = arith.constant 9216 : i32
        %dma_wait3A_283 = tpu.memref_slice %arg4[%dma_wait3A_282] : memref<10000xi32, #tpu.memory_space<hbm>> -> memref<784xi32, #tpu.memory_space<hbm>>
        tpu.wait_dma2 semaphore(%run_scoped3A : memref<!tpu.dma_semaphore, #tpu.memory_space<semaphore_mem>>) src(%dma_wait3A_283 : memref<784xi32, #tpu.memory_space<hbm>>) dst(%dma_wait3A_281 : memref<784xi32, #tpu.memory_space<vmem>>)
        tpu.yield
      }) : () -> ()
      "tpu.region"() ({
        %run_scoped3A = tpu.sem_alloc : memref<!tpu.dma_semaphore, #tpu.memory_space<semaphore_mem>>
        %dma_start3A_268 = arith.constant 0 : i32
        %dma_start3A_269 = arith.constant 0 : i32
        %dma_start3A_270 = tpu.memref_slice %arg18[%dma_start3A_268, %dma_start3A_269] : memref<1024x16xf32, #tpu.memory_space<vmem>> -> memref<784x16xf32, #tpu.memory_space<vmem>>
        %dma_start3A_271 = arith.constant 0 : i32
        %dma_start3A_272 = tpu.memref_slice %arg14[%dma_start3A_271] : memref<1024xi32, #tpu.memory_space<vmem>> -> memref<784xi32, #tpu.memory_space<vmem>>
        %dma_start3A_273 = arith.constant 0 : i32
        %dma_start3A_274 = arith.constant 0 : i32
        %dma_start3A_275 = tpu.memref_slice %arg2[%dma_start3A_273, %dma_start3A_274] : memref<10000x16xf32, #tpu.memory_space<hbm>> -> memref<10000x16xf32, #tpu.memory_space<hbm>>
        tpu.enqueue_indirect_dma source(%dma_start3A_275 : memref<10000x16xf32, #tpu.memory_space<hbm>>) target(%dma_start3A_270 : memref<784x16xf32, #tpu.memory_space<vmem>>) offsets(%dma_start3A_272 : memref<784xi32, #tpu.memory_space<vmem>>) semaphore(%run_scoped3A : memref<!tpu.dma_semaphore, #tpu.memory_space<semaphore_mem>>)
        %dma_wait3A_276 = arith.constant 0 : i32
        %dma_wait3A_277 = arith.constant 0 : i32
        %dma_wait3A_278 = tpu.memref_slice %arg18[%dma_wait3A_276, %dma_wait3A_277] : memref<1024x16xf32, #tpu.memory_space<vmem>> -> memref<784x16xf32, #tpu.memory_space<vmem>>
        %dma_wait3A_279 = arith.constant 0 : i32
        %dma_wait3A_280 = tpu.memref_slice %arg14[%dma_wait3A_279] : memref<1024xi32, #tpu.memory_space<vmem>> -> memref<784xi32, #tpu.memory_space<vmem>>
        %dma_wait3A_281 = arith.constant 0 : i32
        %dma_wait3A_282 = arith.constant 0 : i32
        %dma_wait3A_283 = tpu.memref_slice %arg2[%dma_wait3A_281, %dma_wait3A_282] : memref<10000x16xf32, #tpu.memory_space<hbm>> -> memref<10000x16xf32, #tpu.memory_space<hbm>>
        tpu.wait_indirect_dma semaphore(%run_scoped3A : memref<!tpu.dma_semaphore, #tpu.memory_space<semaphore_mem>>) src(%dma_wait3A_283 : memref<10000x16xf32, #tpu.memory_space<hbm>>) dst(%dma_wait3A_278 : memref<784x16xf32, #tpu.memory_space<vmem>>)
        tpu.yield
      }) : () -> ()
      "tpu.region"() ({
        %run_scoped3A = tpu.sem_alloc : memref<!tpu.dma_semaphore, #tpu.memory_space<semaphore_mem>>
        %dma_start3A_268 = arith.constant 0 : i32
        %dma_start3A_269 = arith.constant 0 : i32
        %dma_start3A_270 = tpu.memref_slice %arg18[%dma_start3A_268, %dma_start3A_269] : memref<1024x16xf32, #tpu.memory_space<vmem>> -> memref<784x16xf32, #tpu.memory_space<vmem>>
        %dma_start3A_271 = arith.constant 9216 : i32
        %dma_start3A_272 = arith.constant 0 : i32
        %dma_start3A_273 = tpu.memref_slice %arg8[%arg0, %dma_start3A_271, %dma_start3A_272] : memref<2x10240x16xf32, #tpu.memory_space<hbm>> -> memref<1x784x16xf32, #tpu.memory_space<hbm>>
        %dma_start3A_274 = tpu.memref_squeeze %dma_start3A_273 : memref<1x784x16xf32, #tpu.memory_space<hbm>> -> memref<784x16xf32, #tpu.memory_space<hbm>>
        %dma_start3A_275 = arith.constant 9216 : i32
        %dma_start3A_276 = arith.constant 0 : i32
        %dma_start3A_277 = tpu.memref_slice %arg8[%arg0, %dma_start3A_275, %dma_start3A_276] : memref<2x10240x16xf32, #tpu.memory_space<hbm>> -> memref<1x784x16xf32, #tpu.memory_space<hbm>>
        %dma_start3A_278 = tpu.memref_squeeze %dma_start3A_277 : memref<1x784x16xf32, #tpu.memory_space<hbm>> -> memref<784x16xf32, #tpu.memory_space<hbm>>
        %dma_start3A_279 = arith.constant 0 : i32
        %dma_start3A_280 = arith.constant 0 : i32
        %dma_start3A_281 = tpu.memref_slice %arg18[%dma_start3A_279, %dma_start3A_280] : memref<1024x16xf32, #tpu.memory_space<vmem>> -> memref<784x16xf32, #tpu.memory_space<vmem>>
        tpu.enqueue_dma source(%dma_start3A_281 : memref<784x16xf32, #tpu.memory_space<vmem>>) target(%dma_start3A_278 : memref<784x16xf32, #tpu.memory_space<hbm>>) target_semaphore(%run_scoped3A : memref<!tpu.dma_semaphore, #tpu.memory_space<semaphore_mem>>)
        %dma_wait3A_282 = arith.constant 0 : i32
        %dma_wait3A_283 = arith.constant 0 : i32
        %dma_wait3A_284 = tpu.memref_slice %arg18[%dma_wait3A_282, %dma_wait3A_283] : memref<1024x16xf32, #tpu.memory_space<vmem>> -> memref<784x16xf32, #tpu.memory_space<vmem>>
        %dma_wait3A_285 = arith.constant 9216 : i32
        %dma_wait3A_286 = arith.constant 0 : i32
        %dma_wait3A_287 = tpu.memref_slice %arg8[%arg0, %dma_wait3A_285, %dma_wait3A_286] : memref<2x10240x16xf32, #tpu.memory_space<hbm>> -> memref<1x784x16xf32, #tpu.memory_space<hbm>>
        %dma_wait3A_288 = tpu.memref_squeeze %dma_wait3A_287 : memref<1x784x16xf32, #tpu.memory_space<hbm>> -> memref<784x16xf32, #tpu.memory_space<hbm>>
        %dma_wait3A_289 = arith.constant 9216 : i32
        %dma_wait3A_290 = arith.constant 0 : i32
        %dma_wait3A_291 = tpu.memref_slice %arg8[%arg0, %dma_wait3A_289, %dma_wait3A_290] : memref<2x10240x16xf32, #tpu.memory_space<hbm>> -> memref<1x784x16xf32, #tpu.memory_space<hbm>>
        %dma_wait3A_292 = tpu.memref_squeeze %dma_wait3A_291 : memref<1x784x16xf32, #tpu.memory_space<hbm>> -> memref<784x16xf32, #tpu.memory_space<hbm>>
        %dma_wait3A_293 = arith.constant 0 : i32
        %dma_wait3A_294 = arith.constant 0 : i32
        %dma_wait3A_295 = tpu.memref_slice %arg18[%dma_wait3A_293, %dma_wait3A_294] : memref<1024x16xf32, #tpu.memory_space<vmem>> -> memref<784x16xf32, #tpu.memory_space<vmem>>
        tpu.wait_dma2 semaphore(%run_scoped3A : memref<!tpu.dma_semaphore, #tpu.memory_space<semaphore_mem>>) src(%dma_wait3A_295 : memref<784x16xf32, #tpu.memory_space<vmem>>) dst(%dma_wait3A_292 : memref<784x16xf32, #tpu.memory_space<hbm>>)
        tpu.yield
      }) : () -> ()
    } else {
    }
    %ge3A = arith.constant 10 : i32
    %ge3A_44 = arith.cmpi sge, %arg1, %ge3A : i32
    %lt3A_45 = arith.constant 12 : i32
    %lt3A_46 = arith.cmpi slt, %arg1, %lt3A_45 : i32
    %and3A = arith.andi %ge3A_44, %lt3A_46 : i1
    %convert_element_type3A_47 = arith.extui %and3A : i1 to i32
    %cond3A_48 = arith.constant 0 : i32
    %cond3A_49 = arith.cmpi ne, %convert_element_type3A_47, %cond3A_48 : i32
    scf.if %cond3A_49 {
      %sub3A = arith.constant 10 : i32
      %sub3A_268 = arith.subi %arg1, %sub3A : i32
      %mul3A_269 = arith.constant 2 : i32
      %mul3A_270 = arith.muli %sub3A_268, %mul3A_269 : i32
      %add3A_271 = arith.addi %mul3A_270, %arg0 : i32
      %mul3A_272 = arith.constant 1024 : i32
      %mul3A_273 = arith.muli %add3A_271, %mul3A_272 : i32
      "tpu.region"() ({
        %run_scoped3A = tpu.sem_alloc : memref<!tpu.dma_semaphore, #tpu.memory_space<semaphore_mem>>
        %dma_start3A_276 = tpu.memref_slice %arg4[%mul3A_273] : memref<10000xi32, #tpu.memory_space<hbm>> -> memref<1024xi32, #tpu.memory_space<hbm>>
        %dma_start3A_277 = tpu.memref_slice %arg4[%mul3A_273] : memref<10000xi32, #tpu.memory_space<hbm>> -> memref<1024xi32, #tpu.memory_space<hbm>>
        tpu.enqueue_dma source(%dma_start3A_277 : memref<1024xi32, #tpu.memory_space<hbm>>) target(%arg15 : memref<1024xi32, #tpu.memory_space<vmem>>) target_semaphore(%run_scoped3A : memref<!tpu.dma_semaphore, #tpu.memory_space<semaphore_mem>>)
        %dma_wait3A_278 = tpu.memref_slice %arg4[%mul3A_273] : memref<10000xi32, #tpu.memory_space<hbm>> -> memref<1024xi32, #tpu.memory_space<hbm>>
        %dma_wait3A_279 = tpu.memref_slice %arg4[%mul3A_273] : memref<10000xi32, #tpu.memory_space<hbm>> -> memref<1024xi32, #tpu.memory_space<hbm>>
        tpu.wait_dma2 semaphore(%run_scoped3A : memref<!tpu.dma_semaphore, #tpu.memory_space<semaphore_mem>>) src(%dma_wait3A_279 : memref<1024xi32, #tpu.memory_space<hbm>>) dst(%arg15 : memref<1024xi32, #tpu.memory_space<vmem>>)
        tpu.yield
      }) : () -> ()
      "tpu.region"() ({
        %run_scoped3A = tpu.sem_alloc : memref<!tpu.dma_semaphore, #tpu.memory_space<semaphore_mem>>
        %dma_start3A_276 = arith.constant 0 : i32
        %dma_start3A_277 = arith.constant 0 : i32
        %dma_start3A_278 = tpu.memref_slice %arg3[%dma_start3A_276, %dma_start3A_277] : memref<10000x16xf32, #tpu.memory_space<hbm>> -> memref<10000x16xf32, #tpu.memory_space<hbm>>
        tpu.enqueue_indirect_dma source(%dma_start3A_278 : memref<10000x16xf32, #tpu.memory_space<hbm>>) target(%arg18 : memref<1024x16xf32, #tpu.memory_space<vmem>>) offsets(%arg15 : memref<1024xi32, #tpu.memory_space<vmem>>) semaphore(%run_scoped3A : memref<!tpu.dma_semaphore, #tpu.memory_space<semaphore_mem>>)
        %dma_wait3A_279 = arith.constant 0 : i32
        %dma_wait3A_280 = arith.constant 0 : i32
        %dma_wait3A_281 = tpu.memref_slice %arg3[%dma_wait3A_279, %dma_wait3A_280] : memref<10000x16xf32, #tpu.memory_space<hbm>> -> memref<10000x16xf32, #tpu.memory_space<hbm>>
        tpu.wait_indirect_dma semaphore(%run_scoped3A : memref<!tpu.dma_semaphore, #tpu.memory_space<semaphore_mem>>) src(%dma_wait3A_281 : memref<10000x16xf32, #tpu.memory_space<hbm>>) dst(%arg18 : memref<1024x16xf32, #tpu.memory_space<vmem>>)
        tpu.yield
      }) : () -> ()
      %mul3A_274 = arith.constant 1024 : i32
      %mul3A_275 = arith.muli %add3A_271, %mul3A_274 : i32
      "tpu.region"() ({
        %run_scoped3A = tpu.sem_alloc : memref<!tpu.dma_semaphore, #tpu.memory_space<semaphore_mem>>
        %dma_start3A_276 = arith.constant 0 : i32
        %dma_start3A_277 = tpu.memref_slice %arg7[%mul3A_275, %dma_start3A_276] : memref<4096x16xf32, #tpu.memory_space<hbm>> -> memref<1024x16xf32, #tpu.memory_space<hbm>>
        %dma_start3A_278 = arith.constant 0 : i32
        %dma_start3A_279 = tpu.memref_slice %arg7[%mul3A_275, %dma_start3A_278] : memref<4096x16xf32, #tpu.memory_space<hbm>> -> memref<1024x16xf32, #tpu.memory_space<hbm>>
        tpu.enqueue_dma source(%arg18 : memref<1024x16xf32, #tpu.memory_space<vmem>>) target(%dma_start3A_279 : memref<1024x16xf32, #tpu.memory_space<hbm>>) target_semaphore(%run_scoped3A : memref<!tpu.dma_semaphore, #tpu.memory_space<semaphore_mem>>)
        %dma_wait3A_280 = arith.constant 0 : i32
        %dma_wait3A_281 = tpu.memref_slice %arg7[%mul3A_275, %dma_wait3A_280] : memref<4096x16xf32, #tpu.memory_space<hbm>> -> memref<1024x16xf32, #tpu.memory_space<hbm>>
        %dma_wait3A_282 = arith.constant 0 : i32
        %dma_wait3A_283 = tpu.memref_slice %arg7[%mul3A_275, %dma_wait3A_282] : memref<4096x16xf32, #tpu.memory_space<hbm>> -> memref<1024x16xf32, #tpu.memory_space<hbm>>
        tpu.wait_dma2 semaphore(%run_scoped3A : memref<!tpu.dma_semaphore, #tpu.memory_space<semaphore_mem>>) src(%arg18 : memref<1024x16xf32, #tpu.memory_space<vmem>>) dst(%dma_wait3A_283 : memref<1024x16xf32, #tpu.memory_space<hbm>>)
        tpu.yield
      }) : () -> ()
    } else {
    }
    %dma_wait3A = arith.constant 0 : i32
    %dma_wait3A_50 = tpu.memref_slice %arg21[%mul3A_29, %dma_wait3A] : memref<4096x16xf32, #tpu.memory_space<vmem_shared>> -> memref<256x16xf32, #tpu.memory_space<vmem_shared>>
    %dma_wait3A_51 = arith.constant 0 : i32
    %dma_wait3A_52 = tpu.memref_slice %arg21[%mul3A_29, %dma_wait3A_51] : memref<4096x16xf32, #tpu.memory_space<vmem_shared>> -> memref<256x16xf32, #tpu.memory_space<vmem_shared>>
    tpu.wait_dma2 semaphore(%arg25 : memref<!tpu.dma_semaphore, #tpu.memory_space<semaphore_mem>>) src(%arg11 : memref<256x16xf32, #tpu.memory_space<vmem>>) dst(%dma_wait3A_52 : memref<256x16xf32, #tpu.memory_space<vmem_shared>>)
    %dma_wait3A_53 = tpu.memref_slice %arg22[%mul3A_35] : memref<4096xf32, #tpu.memory_space<vmem_shared>> -> memref<256xf32, #tpu.memory_space<vmem_shared>>
    %dma_wait3A_54 = tpu.memref_slice %arg22[%mul3A_35] : memref<4096xf32, #tpu.memory_space<vmem_shared>> -> memref<256xf32, #tpu.memory_space<vmem_shared>>
    tpu.wait_dma2 semaphore(%arg26 : memref<!tpu.dma_semaphore, #tpu.memory_space<semaphore_mem>>) src(%arg12 : memref<256xf32, #tpu.memory_space<vmem>>) dst(%dma_wait3A_54 : memref<256xf32, #tpu.memory_space<vmem_shared>>)
    %dma_wait3A_55 = tpu.memref_slice %arg5[%mul3A_2] : memref<160000xi32, #tpu.memory_space<hbm>> -> memref<5000xi32, #tpu.memory_space<hbm>>
    %dma_wait3A_56 = tpu.memref_slice %arg5[%mul3A_2] : memref<160000xi32, #tpu.memory_space<hbm>> -> memref<5000xi32, #tpu.memory_space<hbm>>
    tpu.wait_dma2 semaphore(%arg23 : memref<!tpu.dma_semaphore, #tpu.memory_space<semaphore_mem>>) src(%dma_wait3A_56 : memref<5000xi32, #tpu.memory_space<hbm>>) dst(%arg19 : memref<5000xi32, #tpu.memory_space<vmem>>)
    %dma_wait3A_57 = tpu.memref_slice %arg6[%mul3A_5] : memref<160000xi32, #tpu.memory_space<hbm>> -> memref<5000xi32, #tpu.memory_space<hbm>>
    %dma_wait3A_58 = tpu.memref_slice %arg6[%mul3A_5] : memref<160000xi32, #tpu.memory_space<hbm>> -> memref<5000xi32, #tpu.memory_space<hbm>>
    tpu.wait_dma2 semaphore(%arg24 : memref<!tpu.dma_semaphore, #tpu.memory_space<semaphore_mem>>) src(%dma_wait3A_58 : memref<5000xi32, #tpu.memory_space<hbm>>) dst(%arg20 : memref<5000xi32, #tpu.memory_space<vmem>>)
    %barrier3A = arith.constant 0 : index
    tpu.barrier barrier_id(%barrier3A)
    %dma_start3A_59 = arith.constant 0 : i32
    %dma_start3A_60 = tpu.memref_slice %arg19[%dma_start3A_59] : memref<5000xi32, #tpu.memory_space<vmem>> -> memref<1000xi32, #tpu.memory_space<vmem>>
    %dma_start3A_61 = arith.constant 0 : i32
    %dma_start3A_62 = arith.constant 0 : i32
    %dma_start3A_63 = tpu.memref_slice %arg8[%arg0, %dma_start3A_61, %dma_start3A_62] : memref<2x10240x16xf32, #tpu.memory_space<hbm>> -> memref<1x10240x16xf32, #tpu.memory_space<hbm>>
    %dma_start3A_64 = tpu.memref_squeeze %dma_start3A_63 : memref<1x10240x16xf32, #tpu.memory_space<hbm>> -> memref<10240x16xf32, #tpu.memory_space<hbm>>
    %dma_start3A_65 = arith.constant 0 : i32
    %dma_start3A_66 = arith.constant 0 : i32
    %dma_start3A_67 = tpu.memref_slice %dma_start3A_64[%dma_start3A_65, %dma_start3A_66] : memref<10240x16xf32, #tpu.memory_space<hbm>> -> memref<10240x16xf32, #tpu.memory_space<hbm>>
    tpu.enqueue_indirect_dma source(%dma_start3A_67 : memref<10240x16xf32, #tpu.memory_space<hbm>>) target(%arg16 : memref<1000x16xf32, #tpu.memory_space<vmem>>) offsets(%dma_start3A_60 : memref<1000xi32, #tpu.memory_space<vmem>>) semaphore(%arg23 : memref<!tpu.dma_semaphore, #tpu.memory_space<semaphore_mem>>)
    %dma_start3A_68 = arith.constant 1000 : i32
    %dma_start3A_69 = tpu.memref_slice %arg19[%dma_start3A_68] : memref<5000xi32, #tpu.memory_space<vmem>> -> memref<1000xi32, #tpu.memory_space<vmem>>
    %dma_start3A_70 = arith.constant 0 : i32
    %dma_start3A_71 = arith.constant 0 : i32
    %dma_start3A_72 = tpu.memref_slice %arg8[%arg0, %dma_start3A_70, %dma_start3A_71] : memref<2x10240x16xf32, #tpu.memory_space<hbm>> -> memref<1x10240x16xf32, #tpu.memory_space<hbm>>
    %dma_start3A_73 = tpu.memref_squeeze %dma_start3A_72 : memref<1x10240x16xf32, #tpu.memory_space<hbm>> -> memref<10240x16xf32, #tpu.memory_space<hbm>>
    %dma_start3A_74 = arith.constant 0 : i32
    %dma_start3A_75 = arith.constant 0 : i32
    %dma_start3A_76 = tpu.memref_slice %dma_start3A_73[%dma_start3A_74, %dma_start3A_75] : memref<10240x16xf32, #tpu.memory_space<hbm>> -> memref<10240x16xf32, #tpu.memory_space<hbm>>
    tpu.enqueue_indirect_dma source(%dma_start3A_76 : memref<10240x16xf32, #tpu.memory_space<hbm>>) target(%arg17 : memref<1000x16xf32, #tpu.memory_space<vmem>>) offsets(%dma_start3A_69 : memref<1000xi32, #tpu.memory_space<vmem>>) semaphore(%arg24 : memref<!tpu.dma_semaphore, #tpu.memory_space<semaphore_mem>>)
    %dma_wait3A_77 = arith.constant 0 : i32
    %dma_wait3A_78 = tpu.memref_slice %arg19[%dma_wait3A_77] : memref<5000xi32, #tpu.memory_space<vmem>> -> memref<1000xi32, #tpu.memory_space<vmem>>
    %dma_wait3A_79 = arith.constant 0 : i32
    %dma_wait3A_80 = arith.constant 0 : i32
    %dma_wait3A_81 = tpu.memref_slice %arg8[%arg0, %dma_wait3A_79, %dma_wait3A_80] : memref<2x10240x16xf32, #tpu.memory_space<hbm>> -> memref<1x10240x16xf32, #tpu.memory_space<hbm>>
    %dma_wait3A_82 = tpu.memref_squeeze %dma_wait3A_81 : memref<1x10240x16xf32, #tpu.memory_space<hbm>> -> memref<10240x16xf32, #tpu.memory_space<hbm>>
    %dma_wait3A_83 = arith.constant 0 : i32
    %dma_wait3A_84 = arith.constant 0 : i32
    %dma_wait3A_85 = tpu.memref_slice %dma_wait3A_82[%dma_wait3A_83, %dma_wait3A_84] : memref<10240x16xf32, #tpu.memory_space<hbm>> -> memref<10240x16xf32, #tpu.memory_space<hbm>>
    tpu.wait_indirect_dma semaphore(%arg23 : memref<!tpu.dma_semaphore, #tpu.memory_space<semaphore_mem>>) src(%dma_wait3A_85 : memref<10240x16xf32, #tpu.memory_space<hbm>>) dst(%arg16 : memref<1000x16xf32, #tpu.memory_space<vmem>>)
    %dma_start3A_86 = arith.constant 0 : i32
    %dma_start3A_87 = tpu.memref_slice %arg20[%dma_start3A_86] : memref<5000xi32, #tpu.memory_space<vmem>> -> memref<1000xi32, #tpu.memory_space<vmem>>
    %dma_start3A_88 = arith.constant 0 : i32
    %dma_start3A_89 = arith.constant 0 : i32
    %dma_start3A_90 = tpu.memref_slice %arg21[%dma_start3A_88, %dma_start3A_89] : memref<4096x16xf32, #tpu.memory_space<vmem_shared>> -> memref<4096x16xf32, #tpu.memory_space<vmem_shared>>
    tpu.enqueue_indirect_dma source(%arg16 : memref<1000x16xf32, #tpu.memory_space<vmem>>) target(%dma_start3A_90 : memref<4096x16xf32, #tpu.memory_space<vmem_shared>>) offsets(%dma_start3A_87 : memref<1000xi32, #tpu.memory_space<vmem>>) semaphore(%arg25 : memref<!tpu.dma_semaphore, #tpu.memory_space<semaphore_mem>>) {add = true}
    %dma_start3A_91 = arith.constant 0 : i32
    %dma_start3A_92 = tpu.memref_slice %arg13[%dma_start3A_91] : memref<1024xf32, #tpu.memory_space<vmem>> -> memref<1000xf32, #tpu.memory_space<vmem>>
    %dma_start3A_93 = arith.constant 0 : i32
    %dma_start3A_94 = tpu.memref_slice %arg20[%dma_start3A_93] : memref<5000xi32, #tpu.memory_space<vmem>> -> memref<1000xi32, #tpu.memory_space<vmem>>
    %dma_start3A_95 = arith.constant 0 : i32
    %dma_start3A_96 = tpu.memref_slice %arg22[%dma_start3A_95] : memref<4096xf32, #tpu.memory_space<vmem_shared>> -> memref<4096xf32, #tpu.memory_space<vmem_shared>>
    tpu.enqueue_indirect_dma source(%dma_start3A_92 : memref<1000xf32, #tpu.memory_space<vmem>>) target(%dma_start3A_96 : memref<4096xf32, #tpu.memory_space<vmem_shared>>) offsets(%dma_start3A_94 : memref<1000xi32, #tpu.memory_space<vmem>>) semaphore(%arg27 : memref<!tpu.dma_semaphore, #tpu.memory_space<semaphore_mem>>) {add = true}
    %dma_wait3A_97 = arith.constant 0 : i32
    %dma_wait3A_98 = tpu.memref_slice %arg20[%dma_wait3A_97] : memref<5000xi32, #tpu.memory_space<vmem>> -> memref<1000xi32, #tpu.memory_space<vmem>>
    %dma_wait3A_99 = arith.constant 0 : i32
    %dma_wait3A_100 = arith.constant 0 : i32
    %dma_wait3A_101 = tpu.memref_slice %arg21[%dma_wait3A_99, %dma_wait3A_100] : memref<4096x16xf32, #tpu.memory_space<vmem_shared>> -> memref<4096x16xf32, #tpu.memory_space<vmem_shared>>
    tpu.wait_indirect_dma semaphore(%arg25 : memref<!tpu.dma_semaphore, #tpu.memory_space<semaphore_mem>>) src(%arg16 : memref<1000x16xf32, #tpu.memory_space<vmem>>) dst(%dma_wait3A_101 : memref<4096x16xf32, #tpu.memory_space<vmem_shared>>)
    %dma_start3A_102 = arith.constant 2000 : i32
    %dma_start3A_103 = tpu.memref_slice %arg19[%dma_start3A_102] : memref<5000xi32, #tpu.memory_space<vmem>> -> memref<1000xi32, #tpu.memory_space<vmem>>
    %dma_start3A_104 = arith.constant 0 : i32
    %dma_start3A_105 = arith.constant 0 : i32
    %dma_start3A_106 = tpu.memref_slice %arg8[%arg0, %dma_start3A_104, %dma_start3A_105] : memref<2x10240x16xf32, #tpu.memory_space<hbm>> -> memref<1x10240x16xf32, #tpu.memory_space<hbm>>
    %dma_start3A_107 = tpu.memref_squeeze %dma_start3A_106 : memref<1x10240x16xf32, #tpu.memory_space<hbm>> -> memref<10240x16xf32, #tpu.memory_space<hbm>>
    %dma_start3A_108 = arith.constant 0 : i32
    %dma_start3A_109 = arith.constant 0 : i32
    %dma_start3A_110 = tpu.memref_slice %dma_start3A_107[%dma_start3A_108, %dma_start3A_109] : memref<10240x16xf32, #tpu.memory_space<hbm>> -> memref<10240x16xf32, #tpu.memory_space<hbm>>
    tpu.enqueue_indirect_dma source(%dma_start3A_110 : memref<10240x16xf32, #tpu.memory_space<hbm>>) target(%arg16 : memref<1000x16xf32, #tpu.memory_space<vmem>>) offsets(%dma_start3A_103 : memref<1000xi32, #tpu.memory_space<vmem>>) semaphore(%arg23 : memref<!tpu.dma_semaphore, #tpu.memory_space<semaphore_mem>>)
    %dma_wait3A_111 = arith.constant 1000 : i32
    %dma_wait3A_112 = tpu.memref_slice %arg19[%dma_wait3A_111] : memref<5000xi32, #tpu.memory_space<vmem>> -> memref<1000xi32, #tpu.memory_space<vmem>>
    %dma_wait3A_113 = arith.constant 0 : i32
    %dma_wait3A_114 = arith.constant 0 : i32
    %dma_wait3A_115 = tpu.memref_slice %arg8[%arg0, %dma_wait3A_113, %dma_wait3A_114] : memref<2x10240x16xf32, #tpu.memory_space<hbm>> -> memref<1x10240x16xf32, #tpu.memory_space<hbm>>
    %dma_wait3A_116 = tpu.memref_squeeze %dma_wait3A_115 : memref<1x10240x16xf32, #tpu.memory_space<hbm>> -> memref<10240x16xf32, #tpu.memory_space<hbm>>
    %dma_wait3A_117 = arith.constant 0 : i32
    %dma_wait3A_118 = arith.constant 0 : i32
    %dma_wait3A_119 = tpu.memref_slice %dma_wait3A_116[%dma_wait3A_117, %dma_wait3A_118] : memref<10240x16xf32, #tpu.memory_space<hbm>> -> memref<10240x16xf32, #tpu.memory_space<hbm>>
    tpu.wait_indirect_dma semaphore(%arg24 : memref<!tpu.dma_semaphore, #tpu.memory_space<semaphore_mem>>) src(%dma_wait3A_119 : memref<10240x16xf32, #tpu.memory_space<hbm>>) dst(%arg17 : memref<1000x16xf32, #tpu.memory_space<vmem>>)
    %dma_start3A_120 = arith.constant 1000 : i32
    %dma_start3A_121 = tpu.memref_slice %arg20[%dma_start3A_120] : memref<5000xi32, #tpu.memory_space<vmem>> -> memref<1000xi32, #tpu.memory_space<vmem>>
    %dma_start3A_122 = arith.constant 0 : i32
    %dma_start3A_123 = arith.constant 0 : i32
    %dma_start3A_124 = tpu.memref_slice %arg21[%dma_start3A_122, %dma_start3A_123] : memref<4096x16xf32, #tpu.memory_space<vmem_shared>> -> memref<4096x16xf32, #tpu.memory_space<vmem_shared>>
    tpu.enqueue_indirect_dma source(%arg17 : memref<1000x16xf32, #tpu.memory_space<vmem>>) target(%dma_start3A_124 : memref<4096x16xf32, #tpu.memory_space<vmem_shared>>) offsets(%dma_start3A_121 : memref<1000xi32, #tpu.memory_space<vmem>>) semaphore(%arg26 : memref<!tpu.dma_semaphore, #tpu.memory_space<semaphore_mem>>) {add = true}
    %dma_start3A_125 = arith.constant 0 : i32
    %dma_start3A_126 = tpu.memref_slice %arg13[%dma_start3A_125] : memref<1024xf32, #tpu.memory_space<vmem>> -> memref<1000xf32, #tpu.memory_space<vmem>>
    %dma_start3A_127 = arith.constant 1000 : i32
    %dma_start3A_128 = tpu.memref_slice %arg20[%dma_start3A_127] : memref<5000xi32, #tpu.memory_space<vmem>> -> memref<1000xi32, #tpu.memory_space<vmem>>
    %dma_start3A_129 = arith.constant 0 : i32
    %dma_start3A_130 = tpu.memref_slice %arg22[%dma_start3A_129] : memref<4096xf32, #tpu.memory_space<vmem_shared>> -> memref<4096xf32, #tpu.memory_space<vmem_shared>>
    tpu.enqueue_indirect_dma source(%dma_start3A_126 : memref<1000xf32, #tpu.memory_space<vmem>>) target(%dma_start3A_130 : memref<4096xf32, #tpu.memory_space<vmem_shared>>) offsets(%dma_start3A_128 : memref<1000xi32, #tpu.memory_space<vmem>>) semaphore(%arg27 : memref<!tpu.dma_semaphore, #tpu.memory_space<semaphore_mem>>) {add = true}
    %dma_wait3A_131 = arith.constant 1000 : i32
    %dma_wait3A_132 = tpu.memref_slice %arg20[%dma_wait3A_131] : memref<5000xi32, #tpu.memory_space<vmem>> -> memref<1000xi32, #tpu.memory_space<vmem>>
    %dma_wait3A_133 = arith.constant 0 : i32
    %dma_wait3A_134 = arith.constant 0 : i32
    %dma_wait3A_135 = tpu.memref_slice %arg21[%dma_wait3A_133, %dma_wait3A_134] : memref<4096x16xf32, #tpu.memory_space<vmem_shared>> -> memref<4096x16xf32, #tpu.memory_space<vmem_shared>>
    tpu.wait_indirect_dma semaphore(%arg26 : memref<!tpu.dma_semaphore, #tpu.memory_space<semaphore_mem>>) src(%arg17 : memref<1000x16xf32, #tpu.memory_space<vmem>>) dst(%dma_wait3A_135 : memref<4096x16xf32, #tpu.memory_space<vmem_shared>>)
    %dma_start3A_136 = arith.constant 3000 : i32
    %dma_start3A_137 = tpu.memref_slice %arg19[%dma_start3A_136] : memref<5000xi32, #tpu.memory_space<vmem>> -> memref<1000xi32, #tpu.memory_space<vmem>>
    %dma_start3A_138 = arith.constant 0 : i32
    %dma_start3A_139 = arith.constant 0 : i32
    %dma_start3A_140 = tpu.memref_slice %arg8[%arg0, %dma_start3A_138, %dma_start3A_139] : memref<2x10240x16xf32, #tpu.memory_space<hbm>> -> memref<1x10240x16xf32, #tpu.memory_space<hbm>>
    %dma_start3A_141 = tpu.memref_squeeze %dma_start3A_140 : memref<1x10240x16xf32, #tpu.memory_space<hbm>> -> memref<10240x16xf32, #tpu.memory_space<hbm>>
    %dma_start3A_142 = arith.constant 0 : i32
    %dma_start3A_143 = arith.constant 0 : i32
    %dma_start3A_144 = tpu.memref_slice %dma_start3A_141[%dma_start3A_142, %dma_start3A_143] : memref<10240x16xf32, #tpu.memory_space<hbm>> -> memref<10240x16xf32, #tpu.memory_space<hbm>>
    tpu.enqueue_indirect_dma source(%dma_start3A_144 : memref<10240x16xf32, #tpu.memory_space<hbm>>) target(%arg17 : memref<1000x16xf32, #tpu.memory_space<vmem>>) offsets(%dma_start3A_137 : memref<1000xi32, #tpu.memory_space<vmem>>) semaphore(%arg24 : memref<!tpu.dma_semaphore, #tpu.memory_space<semaphore_mem>>)
    %dma_wait3A_145 = arith.constant 2000 : i32
    %dma_wait3A_146 = tpu.memref_slice %arg19[%dma_wait3A_145] : memref<5000xi32, #tpu.memory_space<vmem>> -> memref<1000xi32, #tpu.memory_space<vmem>>
    %dma_wait3A_147 = arith.constant 0 : i32
    %dma_wait3A_148 = arith.constant 0 : i32
    %dma_wait3A_149 = tpu.memref_slice %arg8[%arg0, %dma_wait3A_147, %dma_wait3A_148] : memref<2x10240x16xf32, #tpu.memory_space<hbm>> -> memref<1x10240x16xf32, #tpu.memory_space<hbm>>
    %dma_wait3A_150 = tpu.memref_squeeze %dma_wait3A_149 : memref<1x10240x16xf32, #tpu.memory_space<hbm>> -> memref<10240x16xf32, #tpu.memory_space<hbm>>
    %dma_wait3A_151 = arith.constant 0 : i32
    %dma_wait3A_152 = arith.constant 0 : i32
    %dma_wait3A_153 = tpu.memref_slice %dma_wait3A_150[%dma_wait3A_151, %dma_wait3A_152] : memref<10240x16xf32, #tpu.memory_space<hbm>> -> memref<10240x16xf32, #tpu.memory_space<hbm>>
    tpu.wait_indirect_dma semaphore(%arg23 : memref<!tpu.dma_semaphore, #tpu.memory_space<semaphore_mem>>) src(%dma_wait3A_153 : memref<10240x16xf32, #tpu.memory_space<hbm>>) dst(%arg16 : memref<1000x16xf32, #tpu.memory_space<vmem>>)
    %dma_start3A_154 = arith.constant 2000 : i32
    %dma_start3A_155 = tpu.memref_slice %arg20[%dma_start3A_154] : memref<5000xi32, #tpu.memory_space<vmem>> -> memref<1000xi32, #tpu.memory_space<vmem>>
    %dma_start3A_156 = arith.constant 0 : i32
    %dma_start3A_157 = arith.constant 0 : i32
    %dma_start3A_158 = tpu.memref_slice %arg21[%dma_start3A_156, %dma_start3A_157] : memref<4096x16xf32, #tpu.memory_space<vmem_shared>> -> memref<4096x16xf32, #tpu.memory_space<vmem_shared>>
    tpu.enqueue_indirect_dma source(%arg16 : memref<1000x16xf32, #tpu.memory_space<vmem>>) target(%dma_start3A_158 : memref<4096x16xf32, #tpu.memory_space<vmem_shared>>) offsets(%dma_start3A_155 : memref<1000xi32, #tpu.memory_space<vmem>>) semaphore(%arg25 : memref<!tpu.dma_semaphore, #tpu.memory_space<semaphore_mem>>) {add = true}
    %dma_start3A_159 = arith.constant 0 : i32
    %dma_start3A_160 = tpu.memref_slice %arg13[%dma_start3A_159] : memref<1024xf32, #tpu.memory_space<vmem>> -> memref<1000xf32, #tpu.memory_space<vmem>>
    %dma_start3A_161 = arith.constant 2000 : i32
    %dma_start3A_162 = tpu.memref_slice %arg20[%dma_start3A_161] : memref<5000xi32, #tpu.memory_space<vmem>> -> memref<1000xi32, #tpu.memory_space<vmem>>
    %dma_start3A_163 = arith.constant 0 : i32
    %dma_start3A_164 = tpu.memref_slice %arg22[%dma_start3A_163] : memref<4096xf32, #tpu.memory_space<vmem_shared>> -> memref<4096xf32, #tpu.memory_space<vmem_shared>>
    tpu.enqueue_indirect_dma source(%dma_start3A_160 : memref<1000xf32, #tpu.memory_space<vmem>>) target(%dma_start3A_164 : memref<4096xf32, #tpu.memory_space<vmem_shared>>) offsets(%dma_start3A_162 : memref<1000xi32, #tpu.memory_space<vmem>>) semaphore(%arg27 : memref<!tpu.dma_semaphore, #tpu.memory_space<semaphore_mem>>) {add = true}
    %dma_wait3A_165 = arith.constant 2000 : i32
    %dma_wait3A_166 = tpu.memref_slice %arg20[%dma_wait3A_165] : memref<5000xi32, #tpu.memory_space<vmem>> -> memref<1000xi32, #tpu.memory_space<vmem>>
    %dma_wait3A_167 = arith.constant 0 : i32
    %dma_wait3A_168 = arith.constant 0 : i32
    %dma_wait3A_169 = tpu.memref_slice %arg21[%dma_wait3A_167, %dma_wait3A_168] : memref<4096x16xf32, #tpu.memory_space<vmem_shared>> -> memref<4096x16xf32, #tpu.memory_space<vmem_shared>>
    tpu.wait_indirect_dma semaphore(%arg25 : memref<!tpu.dma_semaphore, #tpu.memory_space<semaphore_mem>>) src(%arg16 : memref<1000x16xf32, #tpu.memory_space<vmem>>) dst(%dma_wait3A_169 : memref<4096x16xf32, #tpu.memory_space<vmem_shared>>)
    %dma_start3A_170 = arith.constant 4000 : i32
    %dma_start3A_171 = tpu.memref_slice %arg19[%dma_start3A_170] : memref<5000xi32, #tpu.memory_space<vmem>> -> memref<1000xi32, #tpu.memory_space<vmem>>
    %dma_start3A_172 = arith.constant 0 : i32
    %dma_start3A_173 = arith.constant 0 : i32
    %dma_start3A_174 = tpu.memref_slice %arg8[%arg0, %dma_start3A_172, %dma_start3A_173] : memref<2x10240x16xf32, #tpu.memory_space<hbm>> -> memref<1x10240x16xf32, #tpu.memory_space<hbm>>
    %dma_start3A_175 = tpu.memref_squeeze %dma_start3A_174 : memref<1x10240x16xf32, #tpu.memory_space<hbm>> -> memref<10240x16xf32, #tpu.memory_space<hbm>>
    %dma_start3A_176 = arith.constant 0 : i32
    %dma_start3A_177 = arith.constant 0 : i32
    %dma_start3A_178 = tpu.memref_slice %dma_start3A_175[%dma_start3A_176, %dma_start3A_177] : memref<10240x16xf32, #tpu.memory_space<hbm>> -> memref<10240x16xf32, #tpu.memory_space<hbm>>
    tpu.enqueue_indirect_dma source(%dma_start3A_178 : memref<10240x16xf32, #tpu.memory_space<hbm>>) target(%arg16 : memref<1000x16xf32, #tpu.memory_space<vmem>>) offsets(%dma_start3A_171 : memref<1000xi32, #tpu.memory_space<vmem>>) semaphore(%arg23 : memref<!tpu.dma_semaphore, #tpu.memory_space<semaphore_mem>>)
    %dma_wait3A_179 = arith.constant 3000 : i32
    %dma_wait3A_180 = tpu.memref_slice %arg19[%dma_wait3A_179] : memref<5000xi32, #tpu.memory_space<vmem>> -> memref<1000xi32, #tpu.memory_space<vmem>>
    %dma_wait3A_181 = arith.constant 0 : i32
    %dma_wait3A_182 = arith.constant 0 : i32
    %dma_wait3A_183 = tpu.memref_slice %arg8[%arg0, %dma_wait3A_181, %dma_wait3A_182] : memref<2x10240x16xf32, #tpu.memory_space<hbm>> -> memref<1x10240x16xf32, #tpu.memory_space<hbm>>
    %dma_wait3A_184 = tpu.memref_squeeze %dma_wait3A_183 : memref<1x10240x16xf32, #tpu.memory_space<hbm>> -> memref<10240x16xf32, #tpu.memory_space<hbm>>
    %dma_wait3A_185 = arith.constant 0 : i32
    %dma_wait3A_186 = arith.constant 0 : i32
    %dma_wait3A_187 = tpu.memref_slice %dma_wait3A_184[%dma_wait3A_185, %dma_wait3A_186] : memref<10240x16xf32, #tpu.memory_space<hbm>> -> memref<10240x16xf32, #tpu.memory_space<hbm>>
    tpu.wait_indirect_dma semaphore(%arg24 : memref<!tpu.dma_semaphore, #tpu.memory_space<semaphore_mem>>) src(%dma_wait3A_187 : memref<10240x16xf32, #tpu.memory_space<hbm>>) dst(%arg17 : memref<1000x16xf32, #tpu.memory_space<vmem>>)
    %dma_start3A_188 = arith.constant 3000 : i32
    %dma_start3A_189 = tpu.memref_slice %arg20[%dma_start3A_188] : memref<5000xi32, #tpu.memory_space<vmem>> -> memref<1000xi32, #tpu.memory_space<vmem>>
    %dma_start3A_190 = arith.constant 0 : i32
    %dma_start3A_191 = arith.constant 0 : i32
    %dma_start3A_192 = tpu.memref_slice %arg21[%dma_start3A_190, %dma_start3A_191] : memref<4096x16xf32, #tpu.memory_space<vmem_shared>> -> memref<4096x16xf32, #tpu.memory_space<vmem_shared>>
    tpu.enqueue_indirect_dma source(%arg17 : memref<1000x16xf32, #tpu.memory_space<vmem>>) target(%dma_start3A_192 : memref<4096x16xf32, #tpu.memory_space<vmem_shared>>) offsets(%dma_start3A_189 : memref<1000xi32, #tpu.memory_space<vmem>>) semaphore(%arg26 : memref<!tpu.dma_semaphore, #tpu.memory_space<semaphore_mem>>) {add = true}
    %dma_start3A_193 = arith.constant 0 : i32
    %dma_start3A_194 = tpu.memref_slice %arg13[%dma_start3A_193] : memref<1024xf32, #tpu.memory_space<vmem>> -> memref<1000xf32, #tpu.memory_space<vmem>>
    %dma_start3A_195 = arith.constant 3000 : i32
    %dma_start3A_196 = tpu.memref_slice %arg20[%dma_start3A_195] : memref<5000xi32, #tpu.memory_space<vmem>> -> memref<1000xi32, #tpu.memory_space<vmem>>
    %dma_start3A_197 = arith.constant 0 : i32
    %dma_start3A_198 = tpu.memref_slice %arg22[%dma_start3A_197] : memref<4096xf32, #tpu.memory_space<vmem_shared>> -> memref<4096xf32, #tpu.memory_space<vmem_shared>>
    tpu.enqueue_indirect_dma source(%dma_start3A_194 : memref<1000xf32, #tpu.memory_space<vmem>>) target(%dma_start3A_198 : memref<4096xf32, #tpu.memory_space<vmem_shared>>) offsets(%dma_start3A_196 : memref<1000xi32, #tpu.memory_space<vmem>>) semaphore(%arg27 : memref<!tpu.dma_semaphore, #tpu.memory_space<semaphore_mem>>) {add = true}
    %dma_wait3A_199 = arith.constant 4000 : i32
    %dma_wait3A_200 = tpu.memref_slice %arg19[%dma_wait3A_199] : memref<5000xi32, #tpu.memory_space<vmem>> -> memref<1000xi32, #tpu.memory_space<vmem>>
    %dma_wait3A_201 = arith.constant 0 : i32
    %dma_wait3A_202 = arith.constant 0 : i32
    %dma_wait3A_203 = tpu.memref_slice %arg8[%arg0, %dma_wait3A_201, %dma_wait3A_202] : memref<2x10240x16xf32, #tpu.memory_space<hbm>> -> memref<1x10240x16xf32, #tpu.memory_space<hbm>>
    %dma_wait3A_204 = tpu.memref_squeeze %dma_wait3A_203 : memref<1x10240x16xf32, #tpu.memory_space<hbm>> -> memref<10240x16xf32, #tpu.memory_space<hbm>>
    %dma_wait3A_205 = arith.constant 0 : i32
    %dma_wait3A_206 = arith.constant 0 : i32
    %dma_wait3A_207 = tpu.memref_slice %dma_wait3A_204[%dma_wait3A_205, %dma_wait3A_206] : memref<10240x16xf32, #tpu.memory_space<hbm>> -> memref<10240x16xf32, #tpu.memory_space<hbm>>
    tpu.wait_indirect_dma semaphore(%arg23 : memref<!tpu.dma_semaphore, #tpu.memory_space<semaphore_mem>>) src(%dma_wait3A_207 : memref<10240x16xf32, #tpu.memory_space<hbm>>) dst(%arg16 : memref<1000x16xf32, #tpu.memory_space<vmem>>)
    %dma_start3A_208 = arith.constant 4000 : i32
    %dma_start3A_209 = tpu.memref_slice %arg20[%dma_start3A_208] : memref<5000xi32, #tpu.memory_space<vmem>> -> memref<1000xi32, #tpu.memory_space<vmem>>
    %dma_start3A_210 = arith.constant 0 : i32
    %dma_start3A_211 = arith.constant 0 : i32
    %dma_start3A_212 = tpu.memref_slice %arg21[%dma_start3A_210, %dma_start3A_211] : memref<4096x16xf32, #tpu.memory_space<vmem_shared>> -> memref<4096x16xf32, #tpu.memory_space<vmem_shared>>
    tpu.enqueue_indirect_dma source(%arg16 : memref<1000x16xf32, #tpu.memory_space<vmem>>) target(%dma_start3A_212 : memref<4096x16xf32, #tpu.memory_space<vmem_shared>>) offsets(%dma_start3A_209 : memref<1000xi32, #tpu.memory_space<vmem>>) semaphore(%arg25 : memref<!tpu.dma_semaphore, #tpu.memory_space<semaphore_mem>>) {add = true}
    %dma_start3A_213 = arith.constant 0 : i32
    %dma_start3A_214 = tpu.memref_slice %arg13[%dma_start3A_213] : memref<1024xf32, #tpu.memory_space<vmem>> -> memref<1000xf32, #tpu.memory_space<vmem>>
    %dma_start3A_215 = arith.constant 4000 : i32
    %dma_start3A_216 = tpu.memref_slice %arg20[%dma_start3A_215] : memref<5000xi32, #tpu.memory_space<vmem>> -> memref<1000xi32, #tpu.memory_space<vmem>>
    %dma_start3A_217 = arith.constant 0 : i32
    %dma_start3A_218 = tpu.memref_slice %arg22[%dma_start3A_217] : memref<4096xf32, #tpu.memory_space<vmem_shared>> -> memref<4096xf32, #tpu.memory_space<vmem_shared>>
    tpu.enqueue_indirect_dma source(%dma_start3A_214 : memref<1000xf32, #tpu.memory_space<vmem>>) target(%dma_start3A_218 : memref<4096xf32, #tpu.memory_space<vmem_shared>>) offsets(%dma_start3A_216 : memref<1000xi32, #tpu.memory_space<vmem>>) semaphore(%arg27 : memref<!tpu.dma_semaphore, #tpu.memory_space<semaphore_mem>>) {add = true}
    %dma_wait3A_219 = arith.constant 3000 : i32
    %dma_wait3A_220 = tpu.memref_slice %arg20[%dma_wait3A_219] : memref<5000xi32, #tpu.memory_space<vmem>> -> memref<1000xi32, #tpu.memory_space<vmem>>
    %dma_wait3A_221 = arith.constant 0 : i32
    %dma_wait3A_222 = arith.constant 0 : i32
    %dma_wait3A_223 = tpu.memref_slice %arg21[%dma_wait3A_221, %dma_wait3A_222] : memref<4096x16xf32, #tpu.memory_space<vmem_shared>> -> memref<4096x16xf32, #tpu.memory_space<vmem_shared>>
    tpu.wait_indirect_dma semaphore(%arg26 : memref<!tpu.dma_semaphore, #tpu.memory_space<semaphore_mem>>) src(%arg17 : memref<1000x16xf32, #tpu.memory_space<vmem>>) dst(%dma_wait3A_223 : memref<4096x16xf32, #tpu.memory_space<vmem_shared>>)
    %dma_wait3A_224 = arith.constant 4000 : i32
    %dma_wait3A_225 = tpu.memref_slice %arg20[%dma_wait3A_224] : memref<5000xi32, #tpu.memory_space<vmem>> -> memref<1000xi32, #tpu.memory_space<vmem>>
    %dma_wait3A_226 = arith.constant 0 : i32
    %dma_wait3A_227 = arith.constant 0 : i32
    %dma_wait3A_228 = tpu.memref_slice %arg21[%dma_wait3A_226, %dma_wait3A_227] : memref<4096x16xf32, #tpu.memory_space<vmem_shared>> -> memref<4096x16xf32, #tpu.memory_space<vmem_shared>>
    tpu.wait_indirect_dma semaphore(%arg25 : memref<!tpu.dma_semaphore, #tpu.memory_space<semaphore_mem>>) src(%arg16 : memref<1000x16xf32, #tpu.memory_space<vmem>>) dst(%dma_wait3A_228 : memref<4096x16xf32, #tpu.memory_space<vmem_shared>>)
    %dma_wait3A_229 = arith.constant 0 : i32
    %dma_wait3A_230 = tpu.memref_slice %arg13[%dma_wait3A_229] : memref<1024xf32, #tpu.memory_space<vmem>> -> memref<1000xf32, #tpu.memory_space<vmem>>
    %dma_wait3A_231 = arith.constant 0 : i32
    %dma_wait3A_232 = tpu.memref_slice %arg20[%dma_wait3A_231] : memref<5000xi32, #tpu.memory_space<vmem>> -> memref<1000xi32, #tpu.memory_space<vmem>>
    %dma_wait3A_233 = arith.constant 0 : i32
    %dma_wait3A_234 = tpu.memref_slice %arg22[%dma_wait3A_233] : memref<4096xf32, #tpu.memory_space<vmem_shared>> -> memref<4096xf32, #tpu.memory_space<vmem_shared>>
    tpu.wait_indirect_dma semaphore(%arg27 : memref<!tpu.dma_semaphore, #tpu.memory_space<semaphore_mem>>) src(%dma_wait3A_230 : memref<1000xf32, #tpu.memory_space<vmem>>) dst(%dma_wait3A_234 : memref<4096xf32, #tpu.memory_space<vmem_shared>>)
    %dma_wait3A_235 = arith.constant 0 : i32
    %dma_wait3A_236 = tpu.memref_slice %arg13[%dma_wait3A_235] : memref<1024xf32, #tpu.memory_space<vmem>> -> memref<1000xf32, #tpu.memory_space<vmem>>
    %dma_wait3A_237 = arith.constant 1000 : i32
    %dma_wait3A_238 = tpu.memref_slice %arg20[%dma_wait3A_237] : memref<5000xi32, #tpu.memory_space<vmem>> -> memref<1000xi32, #tpu.memory_space<vmem>>
    %dma_wait3A_239 = arith.constant 0 : i32
    %dma_wait3A_240 = tpu.memref_slice %arg22[%dma_wait3A_239] : memref<4096xf32, #tpu.memory_space<vmem_shared>> -> memref<4096xf32, #tpu.memory_space<vmem_shared>>
    tpu.wait_indirect_dma semaphore(%arg27 : memref<!tpu.dma_semaphore, #tpu.memory_space<semaphore_mem>>) src(%dma_wait3A_236 : memref<1000xf32, #tpu.memory_space<vmem>>) dst(%dma_wait3A_240 : memref<4096xf32, #tpu.memory_space<vmem_shared>>)
    %dma_wait3A_241 = arith.constant 0 : i32
    %dma_wait3A_242 = tpu.memref_slice %arg13[%dma_wait3A_241] : memref<1024xf32, #tpu.memory_space<vmem>> -> memref<1000xf32, #tpu.memory_space<vmem>>
    %dma_wait3A_243 = arith.constant 2000 : i32
    %dma_wait3A_244 = tpu.memref_slice %arg20[%dma_wait3A_243] : memref<5000xi32, #tpu.memory_space<vmem>> -> memref<1000xi32, #tpu.memory_space<vmem>>
    %dma_wait3A_245 = arith.constant 0 : i32
    %dma_wait3A_246 = tpu.memref_slice %arg22[%dma_wait3A_245] : memref<4096xf32, #tpu.memory_space<vmem_shared>> -> memref<4096xf32, #tpu.memory_space<vmem_shared>>
    tpu.wait_indirect_dma semaphore(%arg27 : memref<!tpu.dma_semaphore, #tpu.memory_space<semaphore_mem>>) src(%dma_wait3A_242 : memref<1000xf32, #tpu.memory_space<vmem>>) dst(%dma_wait3A_246 : memref<4096xf32, #tpu.memory_space<vmem_shared>>)
    %dma_wait3A_247 = arith.constant 0 : i32
    %dma_wait3A_248 = tpu.memref_slice %arg13[%dma_wait3A_247] : memref<1024xf32, #tpu.memory_space<vmem>> -> memref<1000xf32, #tpu.memory_space<vmem>>
    %dma_wait3A_249 = arith.constant 3000 : i32
    %dma_wait3A_250 = tpu.memref_slice %arg20[%dma_wait3A_249] : memref<5000xi32, #tpu.memory_space<vmem>> -> memref<1000xi32, #tpu.memory_space<vmem>>
    %dma_wait3A_251 = arith.constant 0 : i32
    %dma_wait3A_252 = tpu.memref_slice %arg22[%dma_wait3A_251] : memref<4096xf32, #tpu.memory_space<vmem_shared>> -> memref<4096xf32, #tpu.memory_space<vmem_shared>>
    tpu.wait_indirect_dma semaphore(%arg27 : memref<!tpu.dma_semaphore, #tpu.memory_space<semaphore_mem>>) src(%dma_wait3A_248 : memref<1000xf32, #tpu.memory_space<vmem>>) dst(%dma_wait3A_252 : memref<4096xf32, #tpu.memory_space<vmem_shared>>)
    %dma_wait3A_253 = arith.constant 0 : i32
    %dma_wait3A_254 = tpu.memref_slice %arg13[%dma_wait3A_253] : memref<1024xf32, #tpu.memory_space<vmem>> -> memref<1000xf32, #tpu.memory_space<vmem>>
    %dma_wait3A_255 = arith.constant 4000 : i32
    %dma_wait3A_256 = tpu.memref_slice %arg20[%dma_wait3A_255] : memref<5000xi32, #tpu.memory_space<vmem>> -> memref<1000xi32, #tpu.memory_space<vmem>>
    %dma_wait3A_257 = arith.constant 0 : i32
    %dma_wait3A_258 = tpu.memref_slice %arg22[%dma_wait3A_257] : memref<4096xf32, #tpu.memory_space<vmem_shared>> -> memref<4096xf32, #tpu.memory_space<vmem_shared>>
    tpu.wait_indirect_dma semaphore(%arg27 : memref<!tpu.dma_semaphore, #tpu.memory_space<semaphore_mem>>) src(%dma_wait3A_254 : memref<1000xf32, #tpu.memory_space<vmem>>) dst(%dma_wait3A_258 : memref<4096xf32, #tpu.memory_space<vmem_shared>>)
    %barrier3A_259 = arith.constant 0 : index
    tpu.barrier barrier_id(%barrier3A_259)
    %mul3A_260 = arith.constant 256 : i32
    %mul3A_261 = arith.muli %arg1, %mul3A_260 : i32
    "tpu.region"() ({
      %run_scoped3A = tpu.sem_alloc : memref<!tpu.dma_semaphore, #tpu.memory_space<semaphore_mem>>
      %dma_start3A_268 = arith.constant 0 : i32
      %dma_start3A_269 = arith.constant 0 : i32
      %dma_start3A_270 = tpu.memref_slice %arg16[%dma_start3A_268, %dma_start3A_269] : memref<1000x16xf32, #tpu.memory_space<vmem>> -> memref<256x16xf32, #tpu.memory_space<vmem>>
      %dma_start3A_271 = arith.constant 0 : i32
      %dma_start3A_272 = tpu.memref_slice %arg21[%mul3A_261, %dma_start3A_271] : memref<4096x16xf32, #tpu.memory_space<vmem_shared>> -> memref<256x16xf32, #tpu.memory_space<vmem_shared>>
      %dma_start3A_273 = arith.constant 0 : i32
      %dma_start3A_274 = arith.constant 0 : i32
      %dma_start3A_275 = tpu.memref_slice %arg16[%dma_start3A_273, %dma_start3A_274] : memref<1000x16xf32, #tpu.memory_space<vmem>> -> memref<256x16xf32, #tpu.memory_space<vmem>>
      %dma_start3A_276 = arith.constant 0 : i32
      %dma_start3A_277 = tpu.memref_slice %arg21[%mul3A_261, %dma_start3A_276] : memref<4096x16xf32, #tpu.memory_space<vmem_shared>> -> memref<256x16xf32, #tpu.memory_space<vmem_shared>>
      tpu.enqueue_dma source(%dma_start3A_277 : memref<256x16xf32, #tpu.memory_space<vmem_shared>>) target(%dma_start3A_275 : memref<256x16xf32, #tpu.memory_space<vmem>>) target_semaphore(%run_scoped3A : memref<!tpu.dma_semaphore, #tpu.memory_space<semaphore_mem>>)
      %dma_wait3A_278 = arith.constant 0 : i32
      %dma_wait3A_279 = arith.constant 0 : i32
      %dma_wait3A_280 = tpu.memref_slice %arg16[%dma_wait3A_278, %dma_wait3A_279] : memref<1000x16xf32, #tpu.memory_space<vmem>> -> memref<256x16xf32, #tpu.memory_space<vmem>>
      %dma_wait3A_281 = arith.constant 0 : i32
      %dma_wait3A_282 = tpu.memref_slice %arg21[%mul3A_261, %dma_wait3A_281] : memref<4096x16xf32, #tpu.memory_space<vmem_shared>> -> memref<256x16xf32, #tpu.memory_space<vmem_shared>>
      %dma_wait3A_283 = arith.constant 0 : i32
      %dma_wait3A_284 = arith.constant 0 : i32
      %dma_wait3A_285 = tpu.memref_slice %arg16[%dma_wait3A_283, %dma_wait3A_284] : memref<1000x16xf32, #tpu.memory_space<vmem>> -> memref<256x16xf32, #tpu.memory_space<vmem>>
      %dma_wait3A_286 = arith.constant 0 : i32
      %dma_wait3A_287 = tpu.memref_slice %arg21[%mul3A_261, %dma_wait3A_286] : memref<4096x16xf32, #tpu.memory_space<vmem_shared>> -> memref<256x16xf32, #tpu.memory_space<vmem_shared>>
      tpu.wait_dma2 semaphore(%run_scoped3A : memref<!tpu.dma_semaphore, #tpu.memory_space<semaphore_mem>>) src(%dma_wait3A_287 : memref<256x16xf32, #tpu.memory_space<vmem_shared>>) dst(%dma_wait3A_285 : memref<256x16xf32, #tpu.memory_space<vmem>>)
      tpu.yield
    }) : () -> ()
    %mul3A_262 = arith.constant 256 : i32
    %mul3A_263 = arith.muli %arg1, %mul3A_262 : i32
    "tpu.region"() ({
      %run_scoped3A = tpu.sem_alloc : memref<!tpu.dma_semaphore, #tpu.memory_space<semaphore_mem>>
      %dma_start3A_268 = arith.constant 0 : i32
      %dma_start3A_269 = arith.constant 0 : i32
      %dma_start3A_270 = tpu.memref_slice %arg16[%dma_start3A_268, %dma_start3A_269] : memref<1000x16xf32, #tpu.memory_space<vmem>> -> memref<256x16xf32, #tpu.memory_space<vmem>>
      %dma_start3A_271 = arith.constant 0 : i32
      %dma_start3A_272 = tpu.memref_slice %arg9[%arg0, %mul3A_263, %dma_start3A_271] : memref<2x4096x16xf32, #tpu.memory_space<hbm>> -> memref<1x256x16xf32, #tpu.memory_space<hbm>>
      %dma_start3A_273 = tpu.memref_squeeze %dma_start3A_272 : memref<1x256x16xf32, #tpu.memory_space<hbm>> -> memref<256x16xf32, #tpu.memory_space<hbm>>
      %dma_start3A_274 = arith.constant 0 : i32
      %dma_start3A_275 = tpu.memref_slice %arg9[%arg0, %mul3A_263, %dma_start3A_274] : memref<2x4096x16xf32, #tpu.memory_space<hbm>> -> memref<1x256x16xf32, #tpu.memory_space<hbm>>
      %dma_start3A_276 = tpu.memref_squeeze %dma_start3A_275 : memref<1x256x16xf32, #tpu.memory_space<hbm>> -> memref<256x16xf32, #tpu.memory_space<hbm>>
      %dma_start3A_277 = arith.constant 0 : i32
      %dma_start3A_278 = arith.constant 0 : i32
      %dma_start3A_279 = tpu.memref_slice %arg16[%dma_start3A_277, %dma_start3A_278] : memref<1000x16xf32, #tpu.memory_space<vmem>> -> memref<256x16xf32, #tpu.memory_space<vmem>>
      tpu.enqueue_dma source(%dma_start3A_279 : memref<256x16xf32, #tpu.memory_space<vmem>>) target(%dma_start3A_276 : memref<256x16xf32, #tpu.memory_space<hbm>>) target_semaphore(%run_scoped3A : memref<!tpu.dma_semaphore, #tpu.memory_space<semaphore_mem>>)
      %dma_wait3A_280 = arith.constant 0 : i32
      %dma_wait3A_281 = arith.constant 0 : i32
      %dma_wait3A_282 = tpu.memref_slice %arg16[%dma_wait3A_280, %dma_wait3A_281] : memref<1000x16xf32, #tpu.memory_space<vmem>> -> memref<256x16xf32, #tpu.memory_space<vmem>>
      %dma_wait3A_283 = arith.constant 0 : i32
      %dma_wait3A_284 = tpu.memref_slice %arg9[%arg0, %mul3A_263, %dma_wait3A_283] : memref<2x4096x16xf32, #tpu.memory_space<hbm>> -> memref<1x256x16xf32, #tpu.memory_space<hbm>>
      %dma_wait3A_285 = tpu.memref_squeeze %dma_wait3A_284 : memref<1x256x16xf32, #tpu.memory_space<hbm>> -> memref<256x16xf32, #tpu.memory_space<hbm>>
      %dma_wait3A_286 = arith.constant 0 : i32
      %dma_wait3A_287 = tpu.memref_slice %arg9[%arg0, %mul3A_263, %dma_wait3A_286] : memref<2x4096x16xf32, #tpu.memory_space<hbm>> -> memref<1x256x16xf32, #tpu.memory_space<hbm>>
      %dma_wait3A_288 = tpu.memref_squeeze %dma_wait3A_287 : memref<1x256x16xf32, #tpu.memory_space<hbm>> -> memref<256x16xf32, #tpu.memory_space<hbm>>
      %dma_wait3A_289 = arith.constant 0 : i32
      %dma_wait3A_290 = arith.constant 0 : i32
      %dma_wait3A_291 = tpu.memref_slice %arg16[%dma_wait3A_289, %dma_wait3A_290] : memref<1000x16xf32, #tpu.memory_space<vmem>> -> memref<256x16xf32, #tpu.memory_space<vmem>>
      tpu.wait_dma2 semaphore(%run_scoped3A : memref<!tpu.dma_semaphore, #tpu.memory_space<semaphore_mem>>) src(%dma_wait3A_291 : memref<256x16xf32, #tpu.memory_space<vmem>>) dst(%dma_wait3A_288 : memref<256x16xf32, #tpu.memory_space<hbm>>)
      tpu.yield
    }) : () -> ()
    %mul3A_264 = arith.constant 256 : i32
    %mul3A_265 = arith.muli %arg1, %mul3A_264 : i32
    "tpu.region"() ({
      %run_scoped3A = tpu.sem_alloc : memref<!tpu.dma_semaphore, #tpu.memory_space<semaphore_mem>>
      %dma_start3A_268 = tpu.memref_slice %arg22[%mul3A_265] : memref<4096xf32, #tpu.memory_space<vmem_shared>> -> memref<256xf32, #tpu.memory_space<vmem_shared>>
      %dma_start3A_269 = tpu.memref_slice %arg22[%mul3A_265] : memref<4096xf32, #tpu.memory_space<vmem_shared>> -> memref<256xf32, #tpu.memory_space<vmem_shared>>
      tpu.enqueue_dma source(%dma_start3A_269 : memref<256xf32, #tpu.memory_space<vmem_shared>>) target(%arg12 : memref<256xf32, #tpu.memory_space<vmem>>) target_semaphore(%run_scoped3A : memref<!tpu.dma_semaphore, #tpu.memory_space<semaphore_mem>>)
      %dma_wait3A_270 = tpu.memref_slice %arg22[%mul3A_265] : memref<4096xf32, #tpu.memory_space<vmem_shared>> -> memref<256xf32, #tpu.memory_space<vmem_shared>>
      %dma_wait3A_271 = tpu.memref_slice %arg22[%mul3A_265] : memref<4096xf32, #tpu.memory_space<vmem_shared>> -> memref<256xf32, #tpu.memory_space<vmem_shared>>
      tpu.wait_dma2 semaphore(%run_scoped3A : memref<!tpu.dma_semaphore, #tpu.memory_space<semaphore_mem>>) src(%dma_wait3A_271 : memref<256xf32, #tpu.memory_space<vmem_shared>>) dst(%arg12 : memref<256xf32, #tpu.memory_space<vmem>>)
      tpu.yield
    }) : () -> ()
    %mul3A_266 = arith.constant 256 : i32
    %mul3A_267 = arith.muli %arg1, %mul3A_266 : i32
    "tpu.region"() ({
      %run_scoped3A = tpu.sem_alloc : memref<!tpu.dma_semaphore, #tpu.memory_space<semaphore_mem>>
      %dma_start3A_268 = tpu.memref_slice %arg10[%arg0, %mul3A_267] : memref<2x4096xf32, #tpu.memory_space<hbm>> -> memref<1x256xf32, #tpu.memory_space<hbm>>
      %dma_start3A_269 = tpu.memref_squeeze %dma_start3A_268 : memref<1x256xf32, #tpu.memory_space<hbm>> -> memref<256xf32, #tpu.memory_space<hbm>>
      %dma_start3A_270 = tpu.memref_slice %arg10[%arg0, %mul3A_267] : memref<2x4096xf32, #tpu.memory_space<hbm>> -> memref<1x256xf32, #tpu.memory_space<hbm>>
      %dma_start3A_271 = tpu.memref_squeeze %dma_start3A_270 : memref<1x256xf32, #tpu.memory_space<hbm>> -> memref<256xf32, #tpu.memory_space<hbm>>
      tpu.enqueue_dma source(%arg12 : memref<256xf32, #tpu.memory_space<vmem>>) target(%dma_start3A_271 : memref<256xf32, #tpu.memory_space<hbm>>) target_semaphore(%run_scoped3A : memref<!tpu.dma_semaphore, #tpu.memory_space<semaphore_mem>>)
      %dma_wait3A_272 = tpu.memref_slice %arg10[%arg0, %mul3A_267] : memref<2x4096xf32, #tpu.memory_space<hbm>> -> memref<1x256xf32, #tpu.memory_space<hbm>>
      %dma_wait3A_273 = tpu.memref_squeeze %dma_wait3A_272 : memref<1x256xf32, #tpu.memory_space<hbm>> -> memref<256xf32, #tpu.memory_space<hbm>>
      %dma_wait3A_274 = tpu.memref_slice %arg10[%arg0, %mul3A_267] : memref<2x4096xf32, #tpu.memory_space<hbm>> -> memref<1x256xf32, #tpu.memory_space<hbm>>
      %dma_wait3A_275 = tpu.memref_squeeze %dma_wait3A_274 : memref<1x256xf32, #tpu.memory_space<hbm>> -> memref<256xf32, #tpu.memory_space<hbm>>
      tpu.wait_dma2 semaphore(%run_scoped3A : memref<!tpu.dma_semaphore, #tpu.memory_space<semaphore_mem>>) src(%arg12 : memref<256xf32, #tpu.memory_space<vmem>>) dst(%dma_wait3A_275 : memref<256xf32, #tpu.memory_space<hbm>>)
      tpu.yield
    }) : () -> ()
    return
  }
}

module attributes {stable_mosaic.version = 14 : i64} {
  func.func @_comb2_body(%arg0: memref<5x1024x16xf32, #tpu.memory_space<vmem>>, %arg1: memref<16x41xf32, #tpu.memory_space<vmem>>, %arg2: memref<16x41xf32, #tpu.memory_space<vmem>>, %arg3: memref<41xf32, #tpu.memory_space<vmem>>, %arg4: memref<1024x41xf32, #tpu.memory_space<vmem>>) attributes {dimension_semantics = [], scalar_prefetch = 0 : i64, scratch_operands = 0 : i64, tpu.core_type = #tpu.core_type<tc>} {
    %get3A = arith.constant 0 : index
    %get3A_0 = arith.constant 0 : index
    %get3A_1 = arith.constant 0 : index
    %get3A_2 = vector.load %arg0[%get3A, %get3A_0, %get3A_1] : memref<5x1024x16xf32, #tpu.memory_space<vmem>>, vector<1x1024x16xf32>
    %get3A_3 = vector.shape_cast %get3A_2 : vector<1x1024x16xf32> to vector<1024x16xf32>
    %get3A_4 = arith.constant 1 : index
    %get3A_5 = arith.constant 0 : index
    %get3A_6 = arith.constant 0 : index
    %get3A_7 = vector.load %arg0[%get3A_4, %get3A_5, %get3A_6] : memref<5x1024x16xf32, #tpu.memory_space<vmem>>, vector<1x1024x16xf32>
    %get3A_8 = vector.shape_cast %get3A_7 : vector<1x1024x16xf32> to vector<1024x16xf32>
    %add3A = arith.addf %get3A_3, %get3A_8 : vector<1024x16xf32>
    %get3A_9 = arith.constant 2 : index
    %get3A_10 = arith.constant 0 : index
    %get3A_11 = arith.constant 0 : index
    %get3A_12 = vector.load %arg0[%get3A_9, %get3A_10, %get3A_11] : memref<5x1024x16xf32, #tpu.memory_space<vmem>>, vector<1x1024x16xf32>
    %get3A_13 = vector.shape_cast %get3A_12 : vector<1x1024x16xf32> to vector<1024x16xf32>
    %get3A_14 = arith.constant 3 : index
    %get3A_15 = arith.constant 0 : index
    %get3A_16 = arith.constant 0 : index
    %get3A_17 = vector.load %arg0[%get3A_14, %get3A_15, %get3A_16] : memref<5x1024x16xf32, #tpu.memory_space<vmem>>, vector<1x1024x16xf32>
    %get3A_18 = vector.shape_cast %get3A_17 : vector<1x1024x16xf32> to vector<1024x16xf32>
    %add3A_19 = arith.addf %get3A_13, %get3A_18 : vector<1024x16xf32>
    %max3A = arith.constant 1.000000e+00 : f32
    %max3A_20 = vector.broadcast %max3A : f32 to vector<1024x16xf32>
    %max3A_21 = arith.maximumf %add3A_19, %max3A_20 : vector<1024x16xf32>
    %div3A = arith.divf %add3A, %max3A_21 : vector<1024x16xf32>
    %get3A_22 = arith.constant 0 : index
    %get3A_23 = arith.constant 0 : index
    %get3A_24 = vector.load %arg1[%get3A_22, %get3A_23] : memref<16x41xf32, #tpu.memory_space<vmem>>, vector<16x41xf32>
    %dot_general3A = arith.constant dense<0.000000e+00> : vector<1024x41xf32>
    %dot_general3A_25 = tpu.matmul %div3A, %get3A_24, %dot_general3A {dimension_numbers = #tpu.dot_dimension_numbers<[1], [0], [0], [1], [0, 0, 1, 1], [], []>, transpose_lhs_hint = false} : vector<1024x16xf32>, vector<16x41xf32>, vector<1024x41xf32> -> vector<1024x41xf32>
    %get3A_26 = arith.constant 4 : index
    %get3A_27 = arith.constant 0 : index
    %get3A_28 = arith.constant 0 : index
    %get3A_29 = vector.load %arg0[%get3A_26, %get3A_27, %get3A_28] : memref<5x1024x16xf32, #tpu.memory_space<vmem>>, vector<1x1024x16xf32>
    %get3A_30 = vector.shape_cast %get3A_29 : vector<1x1024x16xf32> to vector<1024x16xf32>
    %get3A_31 = arith.constant 0 : index
    %get3A_32 = arith.constant 0 : index
    %get3A_33 = vector.load %arg2[%get3A_31, %get3A_32] : memref<16x41xf32, #tpu.memory_space<vmem>>, vector<16x41xf32>
    %dot_general3A_34 = arith.constant dense<0.000000e+00> : vector<1024x41xf32>
    %dot_general3A_35 = tpu.matmul %get3A_30, %get3A_33, %dot_general3A_34 {dimension_numbers = #tpu.dot_dimension_numbers<[1], [0], [0], [1], [0, 0, 1, 1], [], []>, transpose_lhs_hint = false} : vector<1024x16xf32>, vector<16x41xf32>, vector<1024x41xf32> -> vector<1024x41xf32>
    %add3A_36 = arith.addf %dot_general3A_25, %dot_general3A_35 : vector<1024x41xf32>
    %get3A_37 = arith.constant 0 : index
    %get3A_38 = vector.load %arg3[%get3A_37] : memref<41xf32, #tpu.memory_space<vmem>>, vector<41xf32>
    %broadcast_in_dim3A = vector.shape_cast %get3A_38 : vector<41xf32> to vector<1x41xf32>
    %add3A_39 = vector.broadcast %broadcast_in_dim3A : vector<1x41xf32> to vector<1024x41xf32>
    %add3A_40 = arith.addf %add3A_36, %add3A_39 : vector<1024x41xf32>
    %reduce_max3A = arith.constant dense<0xFF800000> : vector<1024xf32>
    %reduce_max3A_41 = vector.multi_reduction <maximumf>, %add3A_40, %reduce_max3A [1] : vector<1024x41xf32> to vector<1024xf32>
    %broadcast_in_dim3A_42 = vector.shape_cast %reduce_max3A_41 : vector<1024xf32> to vector<1024x1xf32>
    %sub3A = vector.broadcast %broadcast_in_dim3A_42 : vector<1024x1xf32> to vector<1024x41xf32>
    %sub3A_43 = arith.subf %add3A_40, %sub3A : vector<1024x41xf32>
    %exp3A = math.exp %sub3A_43 : vector<1024x41xf32>
    %reduce_sum3A = arith.constant dense<0.000000e+00> : vector<1024xf32>
    %reduce_sum3A_44 = vector.multi_reduction <add>, %exp3A, %reduce_sum3A [1] : vector<1024x41xf32> to vector<1024xf32>
    %broadcast_in_dim3A_45 = vector.shape_cast %reduce_sum3A_44 : vector<1024xf32> to vector<1024x1xf32>
    %log3A = math.log %broadcast_in_dim3A_45 : vector<1024x1xf32>
    %add3A_46 = arith.addf %broadcast_in_dim3A_42, %log3A : vector<1024x1xf32>
    %sub3A_47 = vector.broadcast %add3A_46 : vector<1024x1xf32> to vector<1024x41xf32>
    %sub3A_48 = arith.subf %add3A_40, %sub3A_47 : vector<1024x41xf32>
    %swap3A = arith.constant 0 : index
    %swap3A_49 = arith.constant 0 : index
    %swap3A_50 = vector.load %arg4[%swap3A, %swap3A_49] : memref<1024x41xf32, #tpu.memory_space<vmem>>, vector<1024x41xf32>
    tpu.vector_store %arg4[%swap3A, %swap3A_49], %sub3A_48 {strides = array<i32>} : memref<1024x41xf32, #tpu.memory_space<vmem>>, vector<1024x41xf32>,
    return
  }
}

module attributes {stable_mosaic.version = 14 : i64} {
  func.func @_proj_body(%arg0: i32, %arg1: memref<5000x256xf32, #tpu.memory_space<vmem>>, %arg2: memref<256x16xf32, #tpu.memory_space<vmem>>, %arg3: memref<256x16xf32, #tpu.memory_space<vmem>>, %arg4: memref<5000x16xf32, #tpu.memory_space<vmem>>, %arg5: memref<5000x16xf32, #tpu.memory_space<vmem>>) attributes {dimension_semantics = [#tpu.dimension_semantics<arbitrary>], iteration_bounds = array<i64: 2>, scalar_prefetch = 0 : i64, scratch_operands = 0 : i64, tpu.core_type = #tpu.core_type<tc>, window_params = [{transform_indices = @transform_0, window_bounds = array<i64: 5000, 256>}, {pipeline_mode = #tpu.pipeline_mode<synchronous>, transform_indices = @transform_1, window_bounds = array<i64: 256, 16>}, {pipeline_mode = #tpu.pipeline_mode<synchronous>, transform_indices = @transform_2, window_bounds = array<i64: 256, 16>}, {transform_indices = @transform_3, window_bounds = array<i64: 5000, 16>}, {transform_indices = @transform_4, window_bounds = array<i64: 5000, 16>}]} {
    %get3A = arith.constant 0 : index
    %get3A_0 = arith.constant 0 : index
    %get3A_1 = vector.load %arg1[%get3A, %get3A_0] : memref<5000x256xf32, #tpu.memory_space<vmem>>, vector<5000x256xf32>
    %get3A_2 = arith.constant 0 : index
    %get3A_3 = arith.constant 0 : index
    %get3A_4 = vector.load %arg2[%get3A_2, %get3A_3] : memref<256x16xf32, #tpu.memory_space<vmem>>, vector<256x16xf32>
    %dot_general3A = arith.constant dense<0.000000e+00> : vector<5000x16xf32>
    %dot_general3A_5 = tpu.matmul %get3A_1, %get3A_4, %dot_general3A {dimension_numbers = #tpu.dot_dimension_numbers<[1], [0], [0], [1], [0, 0, 1, 1], [], []>, transpose_lhs_hint = false} : vector<5000x256xf32>, vector<256x16xf32>, vector<5000x16xf32> -> vector<5000x16xf32>
    %swap3A = arith.constant 0 : index
    %swap3A_6 = arith.constant 0 : index
    %swap3A_7 = vector.load %arg4[%swap3A, %swap3A_6] : memref<5000x16xf32, #tpu.memory_space<vmem>>, vector<5000x16xf32>
    tpu.vector_store %arg4[%swap3A, %swap3A_6], %dot_general3A_5 {strides = array<i32>} : memref<5000x16xf32, #tpu.memory_space<vmem>>, vector<5000x16xf32>,
    %get3A_8 = arith.constant 0 : index
    %get3A_9 = arith.constant 0 : index
    %get3A_10 = vector.load %arg3[%get3A_8, %get3A_9] : memref<256x16xf32, #tpu.memory_space<vmem>>, vector<256x16xf32>
    %dot_general3A_11 = arith.constant dense<0.000000e+00> : vector<5000x16xf32>
    %dot_general3A_12 = tpu.matmul %get3A_1, %get3A_10, %dot_general3A_11 {dimension_numbers = #tpu.dot_dimension_numbers<[1], [0], [0], [1], [0, 0, 1, 1], [], []>, transpose_lhs_hint = false} : vector<5000x256xf32>, vector<256x16xf32>, vector<5000x16xf32> -> vector<5000x16xf32>
    %swap3A_13 = arith.constant 0 : index
    %swap3A_14 = arith.constant 0 : index
    %swap3A_15 = vector.load %arg5[%swap3A_13, %swap3A_14] : memref<5000x16xf32, #tpu.memory_space<vmem>>, vector<5000x16xf32>
    tpu.vector_store %arg5[%swap3A_13, %swap3A_14], %dot_general3A_12 {strides = array<i32>} : memref<5000x16xf32, #tpu.memory_space<vmem>>, vector<5000x16xf32>,
    return
  }
  func.func @transform_0(%arg0: i32) -> (i32, i32) {
    %c0_i32 = arith.constant 0 : i32
    %c0_i32_0 = arith.constant 0 : i32
    return %arg0, %c0_i32 : i32, i32
  }
  func.func @transform_1(%arg0: i32) -> (i32, i32) {
    %c0_i32 = arith.constant 0 : i32
    %c0_i32_0 = arith.constant 0 : i32
    %c0_i32_1 = arith.constant 0 : i32
    return %c0_i32, %c0_i32_0 : i32, i32
  }
  func.func @transform_2(%arg0: i32) -> (i32, i32) {
    %c0_i32 = arith.constant 0 : i32
    %c0_i32_0 = arith.constant 0 : i32
    %c0_i32_1 = arith.constant 0 : i32
    return %c0_i32, %c0_i32_0 : i32, i32
  }
  func.func @transform_3(%arg0: i32) -> (i32, i32) {
    %c0_i32 = arith.constant 0 : i32
    %c0_i32_0 = arith.constant 0 : i32
    return %arg0, %c0_i32 : i32, i32
  }
  func.func @transform_4(%arg0: i32) -> (i32, i32) {
    %c0_i32 = arith.constant 0 : i32
    %c0_i32_0 = arith.constant 0 : i32
    return %arg0, %c0_i32 : i32, i32
  }
}

</mosaic_0001>

<sc_bundles>
// kernel: kernel.6.cloned.1.call-start
scs
__scs_entry_jumppad:
0x0: {  	(pc) =	sbr.rel $0x88, $3  }
0x1: {  	(tag) =	ssettag $0x0;
	lr =	simm.s32 $0x1  }
0x2: {  	[smem:$0x3F95] =	sst lr;
	_ =	strace $0xD0000000  }
0x3: {  	_ = 	snop  }
0x4: {  	_ = 	snop  }
0x5: {  	_ = 	snop  }
0x6: {  	_ = 	snop  }
0x7: {  	_ = 	snop  }
__scs_overlays_trampoline_lowered:
0x8: {  	[smem:$0x3FA4] =	sst s0  }
0x9: {  	[smem:$0x3FA5] =	sst s1  }
0xa: {  	[smem:$0x3FA6] =	sst s2  }
0xb: {  	[smem:$0x3FA7] =	sst s3  }
0xc: {  	[smem:$0x3FA8] =	sst s4  }
0xd: {  	[smem:$0x3FA9] =	sst s5  }
0xe: {  	[smem:$0x3FAA] =	sst s6  }
0xf: {  	[smem:$0x3FAB] =	sst s7  }
0x10: {  	[smem:$0x3FAC] =	sst s8  }
0x11: {  	[smem:$0x3FAD] =	sst s9;
	s0 =	simm.s32 @!p0 $0x0  }
0x12: {  	s1 =	sld [smem:$0x3F93];
	s0 =	simm.s32 @p0 $0x1  }
0x13: {  	[smem:$0x3FAE] =	sst s0;
	s0 =	simm.s32 @!p1 $0x0  }
0x14: {  	s2 =	sld [smem:$0x3F92];
	s0 =	simm.s32 @p1 $0x1  }
0x15: {  	[smem:$0x3FAF] =	sst s0;
	s0 =	simm.s32 @!p2 $0x0  }
0x16: {  	s3 =	sld [smem:$0x3FDB];
	s0 =	simm.s32 @p2 $0x1  }
0x17: {  	s4 =	simm.s32 $0x1BF5;
	[smem:$0x3FB1] =	sst s0  }
0x18: {  	s0 =	sld [smem:$0x3F94];
	_ =	swait.ge [sflag:s4], $0x0  }
0x19: {  	s7 =	sld [smem:$0x3F95]  }
0x1a: {  	s8 =	sadd.s32 $0xFFFFE003, lr  }
0x1b: {  	s9 =	sadd.s32 $0xFFFFFEF7, lr;
	s5 =	simm.s32 $0xFFFFFFFF;
	p2 =	slt.u32 s8, $0xFFFFF086  }
0x1c: {  	p1 =	slt.u32 s9, $0xF7A;
	s5 =	simm.s32 @!p2 $0x0  }
0x1d: {  	s5 =	simm.s32 @p1 $0x1;
	p0 =	seq.s32 s7, s2  }
0x1e: {  	s7 =	smul.u32 @!p0 $0xF7A, s2;
	p2 =	seq.s32 @!p0 s5, $0x0  }
0x1f: {  	s9 =	smul.u32 $0xF7A, s1;
	s8 =	simm.s32 @!p0 $0x1BF5;
	p2 =	por !p2, p0  }
0x20: {  	[sflag:s8] =	ssyncset.s32 @!p0 $0xFFFFF086;
	s6 =	sadd.s32 @!p0 s3, s7;
	s7 =	simm.s32 @!p0 $0x108  }
0x21: {  	s3 =	sadd.s32 s3, s9;
	s6 =	sadd.s32 @!p0 $0x88, s6;
	s7 =	simm.s32 @p2 $0x1082  }
0x22: {  	[simem:s7], [sflag:s8] =	dma.local @!p0 [hbm:s6], $0xF7A  }
0x23: {  	s9 =	sor.u32 $0xD0000000, s2;
	s6 =	simm.s32 $0x108;
	_ =	swait.ge @!p0 [sflag:s8], $0x0  }
0x24: {  	s3 =	sadd.s32 $0x88, s3;
	s6 =	simm.s32 @!p1 $0x1082;
	[sflag:s4] =	ssyncset.s32 $0xFFFFF086  }
0x25: {  	[simem:s6], [sflag:s4] =	dma.local [hbm:s3], $0xF7A  }
0x26: {  	[smem:$0x3F95] =	sst s1;
	(tag) =	ssettag s2;
	_ =	strace s9  }
0x27: {  	s1 =	sld [smem:$0x3FA5]  }
0x28: {  	s2 =	sld [smem:$0x3FA6]  }
0x29: {  	s4 =	sld [smem:$0x3FA8]  }
0x2a: {  	p0 =	seq.s32 s5, $0x0;
	s5 =	sld [smem:$0x3FA9]  }
0x2b: {  	s6 =	sld [smem:$0x3FAA]  }
0x2c: {  	s7 =	sld [smem:$0x3FAB]  }
0x2d: {  	s3 =	simm.s32 $0x108;
	s8 =	sld [smem:$0x3FAC]  }
0x2e: {  	s3 =	simm.s32 @!p0 $0x1082;
	s9 =	sld [smem:$0x3FAD]  }
0x2f: {  	lr =	sadd.s32 s0, s3;
	s0 =	sld [smem:$0x3FA4]  }
0x30: {  	s3 =	sld [smem:$0x3FA7]  }
0x31: {  	[smem:$0x3FB0] =	sst s10  }
0x32: {  	s10 =	sld [smem:$0x3FAE];
	_ =	sdelay $0x3  }
0x33: {  	p0 =	seq.s32 s10, $0x1;
	s10 =	sld [smem:$0x3FB0];
	_ =	sdelay $0x3  }
0x34: {  	[smem:$0x3FB0] =	sst s10  }
0x35: {  	s10 =	sld [smem:$0x3FAF];
	_ =	sdelay $0x3  }
0x36: {  	p1 =	seq.s32 s10, $0x1;
	s10 =	sld [smem:$0x3FB0];
	_ =	sdelay $0x3  }
0x37: {  	[smem:$0x3FB0] =	sst s10  }
0x38: {  	s10 =	sld [smem:$0x3FB1]  }
0x39: {  	_ = 	snop;
	(pc) =	sbr.ind lr, $3  }
0x3a: {  	_ = 	snop  }
0x3b: {  	_ = 	snop  }
0x3c: {  	p2 =	seq.s32 s10, $0x1;
	s10 =	sld [smem:$0x3FB0]  }
0x3d: {  	_ =	shalt  }
0x3e: {  	_ =	shalt  }
0x3f: {  	_ =	shalt  }
0x40: {  	_ =	shalt  }
0x41: {  	_ =	shalt  }
0x42: {  	_ =	shalt  }
0x43: {  	_ =	shalt  }
0x44: {  	_ =	shalt  }
0x45: {  	_ =	shalt  }
0x46: {  	_ =	shalt  }
0x47: {  	_ =	shalt  }
0x48: {  	_ =	shalt  }
0x49: {  	_ =	shalt  }
0x4a: {  	_ =	shalt  }
0x4b: {  	_ =	shalt  }
0x4c: {  	_ =	shalt  }
0x4d: {  	_ =	shalt  }
0x4e: {  	_ =	shalt  }
0x4f: {  	_ =	shalt  }
0x50: {  	_ =	shalt  }
0x51: {  	_ =	shalt  }
0x52: {  	_ =	shalt  }
0x53: {  	_ =	shalt  }
0x54: {  	_ =	shalt  }
0x55: {  	_ =	shalt  }
0x56: {  	_ =	shalt  }
0x57: {  	_ =	shalt  }
0x58: {  	_ =	shalt  }
0x59: {  	_ =	shalt  }
0x5a: {  	_ =	shalt  }
0x5b: {  	_ =	shalt  }
0x5c: {  	_ =	shalt  }
0x5d: {  	_ =	shalt  }
0x5e: {  	_ =	shalt  }
0x5f: {  	_ =	shalt  }
0x60: {  	_ =	shalt  }
0x61: {  	_ =	shalt  }
0x62: {  	_ =	shalt  }
0x63: {  	_ =	shalt  }
0x64: {  	_ =	shalt  }
0x65: {  	_ =	shalt  }
0x66: {  	_ =	shalt  }
0x67: {  	_ =	shalt  }
0x68: {  	_ =	shalt  }
0x69: {  	_ =	shalt  }
0x6a: {  	_ =	shalt  }
0x6b: {  	_ =	shalt  }
0x6c: {  	_ =	shalt  }
0x6d: {  	_ =	shalt  }
0x6e: {  	_ =	shalt  }
0x6f: {  	_ =	shalt  }
0x70: {  	_ =	shalt  }
0x71: {  	_ =	shalt  }
0x72: {  	_ =	shalt  }
0x73: {  	_ =	shalt  }
0x74: {  	_ =	shalt  }
0x75: {  	_ =	shalt  }
0x76: {  	_ =	shalt  }
0x77: {  	_ =	shalt  }
0x78: {  	_ =	shalt  }
0x79: {  	_ =	shalt  }
0x7a: {  	_ =	shalt  }
0x7b: {  	_ =	shalt  }
0x7c: {  	_ =	shalt  }
0x7d: {  	_ =	shalt  }
0x7e: {  	_ =	shalt  }
0x7f: {  	_ =	shalt  }
0x80: {  	_ =	shalt  }
0x81: {  	_ =	shalt  }
0x82: {  	_ =	shalt  }
0x83: {  	_ =	shalt  }
0x84: {  	_ =	shalt  }
0x85: {  	_ =	shalt  }
0x86: {  	_ =	shalt  }
0x87: {  	_ =	shalt  }
.Lfunc_end0:
.L_simem_size_0:
called_computation_lowered:
.L_overlay_start_0:
0x88: {  	s2 =	sld [smem:$0x3FD9]  }
0x89: {  	s3 =	sld [smem:$0x3FFE];
	_ =	sdelay $0x1  }
0x8a: {  	s1 =	srdreg.scid  }
0x8b: {  	s0 =	sand.u32 $0x1, s1  }
0x8c: {  	s17 =	sshll.u32 s0, $0xA;
	s2 =	sadd.s32 s3, s2  }
0x8d: {  	s2 =	sadd.s32 s2, s17  }
0x8e: {  	[smem:$0x3FBC] =	sst s2  }
0x8f: {  	_ = 	snop  }
0x90: {  	s2 =	sld [smem:$0x3FC8]  }
0x91: {  	s18 =	sld [smem:$0x3FC7]  }
0x92: {  	s4 =	sld [smem:$0x3FC6]  }
0x93: {  	s5 =	sld [smem:$0x3FD0];
	(tm) =	ssettm $0x1  }
0x94: {  	s6 =	sld [smem:$0x3FFB];
	_ =	sdelay $0x3  }
0x95: {  	_ =	strace s6  }
0x96: {  	s6 =	sld [smem:$0x3FFC];
	_ =	sdelay $0x3  }
0x97: {  	_ =	strace s6  }
0x98: {  	s6 =	sld [smem:$0x3FFD];
	_ =	sdelay $0x3  }
0x99: {  	_ =	strace s6  }
0x9a: {  	_ =	strace $0x8FFFFFFF  }
0x9b: {  	s19 =	sld [smem:$0x3FDB];
	_ =	sdelay $0x1  }
0x9c: {  	s7 =	simm.s32 $_scs_section_size  }
0x9d: {  	s8 =	simm.s32 $_size__tile_overlayer_lowered;
	s9 =	simm.s32 $_tile_overlayer_lowered  }
0x9e: {  	s22 =	simm.s32 $0x1BFF;
	s21 =	sshll.u32 s9, $0x1;
	s6 =	sadd.s32 s7, s19  }
0x9f: {  	s10 =	simm.s32 $0x0;
	s20 =	sshll.u32 s8, $0x1;
	s8 =	sadd.s32 s21, s6  }
0xa0: {  	[timem:s10], [sflag:s22] =	dma.local [hbm:s8], s20  }
0xa1: {  	_ =	swait.ge [sflag:s22], s20  }
0xa2: {  	s7 =	ssub.s32 $0x0, s20;
	[sflag:s22] =	ssyncset.done $0x0  }
0xa3: {  	[sflag:s22] =	ssyncadd.s32 s7;
	_ =	sdelay $0x1  }
0xa4: {  	s23 =	simm.s32 $0x1B8B  }
0xa5: {  	_ =	swait.ge [sflag:s23], $0x1  }
0xa6: {  	[sflag:s23] =	ssyncset.done $0x0  }
0xa7: {  	s25 =	simm.s32 $0x1B8E;
	s24 =	sld [smem:$0x3FFE];
	[sflag:s23] =	ssyncadd.s32 $0xFFFFFFFF  }
0xa8: {  	s26 =	simm.s32 $execute0_lowered;
	[smem:$0x3FD2] =	sst s25  }
0xa9: {  	s8 =	sshll.u32 s26, $0x1;
	_ =	strace $0x80000046;
	[dreg:$0x1] =	wrdreg $0xFFFFFFFF  }
0xaa: {  	s28 =	simm.s32 $_size_execute0_lowered;
	s6 =	sadd.s32 s6, s8;
	[dreg:$0x0] =	wrdreg $0x0  }
0xab: {  	s8 =	sshll.u32 s28, $0x1;
	[dreg:$0x2] =	wrdreg s6  }
0xac: {  	[dreg:$0x3] =	wrdreg s8  }
0xad: {  	[dreg:$0x4] =	wrdreg $0xC0  }
0xae: {  	_ =	task [dreg:s10], $0x5FFFF  }
0xaf: {  	[dreg:$0x1] =	wrdreg $0xFFFFFFFF  }
0xb0: {  	[dreg:$0x0] =	wrdreg $0x60  }
0xb1: {  	[dreg:$0x2] =	wrdreg s24  }
0xb2: {  	[dreg:$0x3] =	wrdreg s2  }
0xb3: {  	[dreg:$0x4] =	wrdreg s18  }
0xb4: {  	[dreg:$0x5] =	wrdreg s4  }
0xb5: {  	[dreg:$0x6] =	wrdreg s5  }
0xb6: {  	[dreg:$0x7] =	wrdreg $0x101100  }
0xb7: {  	[dreg:$0x8] =	wrdreg $0x111100  }
0xb8: {  	[dreg:$0x9] =	wrdreg $0x9  }
0xb9: {  	_ =	task.clear_ibuf [dreg:s10], $0xAFFFF;
	_ =	strace $0x90000046  }
0xba: {  	s29 =	simm.s32 $0x9;
	_ =	strace $0x80000048  }
0xbb: {  	_ =	swait.ge [sflag:s29], $0x1  }
0xbc: {  	[sflag:s29] =	ssyncadd.s32 $0xFFFFFFFF  }
0xbd: {  	_ =	strace $0x90000048  }
0xbe: {  	_ =	sfence  }
0xbf: {  	s30 =	sld [smem:$0x0];
	_ =	sdelay $0x2  }
0xc0: {  	s31 =	sshll.u32 s1, $0xD;
	s1 =	sshrl.u32 s1, $0x2  }
0xc1: {  	s3 =	sand.u32 $0x4000, s31;
	s1 =	sadd.s32 s1, s30  }
0xc2: {  	s0 =	sor.u32 s3, s0;
	s1 =	sshll.u32 s1, $0x11  }
0xc3: {  	s0 =	sor.u32 s1, s0  }
0xc4: {  	s0 =	sadd.s32 $0x8F2B, s0  }
0xc5: {  	[sflag:s0] =	ssyncadd.remote.s32 $0x1  }
0xc6: {  	_ =	sfence.sel $0xFFFF  }
0xc7: {  	[dreg:$0x0] =	wrdreg $0xFFFFFFFF;
	(pc) =	sbr.abs _section_cstart, $3  }
0xc8: {  	[dreg:$0x1] =	wrdreg $0xFFFFFFFF  }
0xc9: {  	_ =	task.clear_ibuf [dreg:s10], $0x2FFFF;
	_ =	strace $0x9FFFFFFF  }
0xca: {  	(tm) =	ssettm $0x7FFFFFFF  }
0xcb: {  	_ =	shalt  }
tec
execute0_lowered:
.L_overlay_start_1:
0x0: {  	(tag) =	ssettag $0x1  }
0x1: {  	s0 =	rddreg [dreg:$0x0]  }
0x2: {  	s1 =	rddreg [dreg:$0x1]  }
0x3: {  	s5 =	rddreg [dreg:$0x2]  }
0x4: {  	s6 =	rddreg [dreg:$0x3]  }
0x5: {  	s11 =	rddreg [dreg:$0x4]  }
0x6: {  	s2 =	rddreg [dreg:$0x5]  }
0x7: {  	s3 =	rddreg [dreg:$0x6];
	s7 =	srdreg.scid  }
0x8: {  	s21 =	stileid.u32;
	s4 =	simm.s32 $0x0;
	s29 =	simm.s32 $0x3  }
0x9: {  	s30 =	simm.s32 $0x4;
	s31 =	simm.s32 $0x1;
	s12 =	sand.u32 $0x1, s7  }
0xa: {  	s18 =	sshll.u32 s21, $0x1;
	[smem:$0x7FF] =	sst s4;
	s8 =	sadd.s32 $0x1A00, s0  }
0xb: {  	s19 =	sadd.s32 $0x6A00, s0;
	s9 =	sshll.u32 s21, $0xC;
	s16 =	sadd.s32 $0xBA00, s0  }
0xc: {  	s26 =	sshll.u32 s21, $0x8;
	s17 =	sadd.s32 $0x480, s1;
	p0 =	sgt.u32 s21, $0x8  }
0xd: {  	p2 =	sne.s32 s21, $0x9;
	_ =	strace $0x80000047;
	[dreg:$0x8] =	wrdreg s8  }
0xe: {  	s7 =	sor.u32 s12, s18;
	[dreg:$0x9] =	wrdreg s19;
	s22 =	sshll.u32 s12, $0x10  }
0xf: {  	s10 =	ssub.s32 $0x2, s12;
	s28 =	smul.u32 $0x28000, s12;
	[dreg:$0xc] =	wrdreg s17  }
0x10: {  	s19 =	sshll.u32 s21, $0x7;
	s13 =	sadd.s32 $0x3FFFEC, s7;
	s8 =	sor.u32 s9, s22  }
0x11: {  	s15 =	smul.u32 $0x271, s7;
	s24 =	sshrl.u32 s10, $0x1;
	s9 =	sadd.s32 s9, s2  }
0x12: {  	s20 =	sshll.u32 s13, $0xB;
	s23 =	sshrl.u32 s8, $0x3;
	s8 =	sshll.u32 s21, $0xE  }
0x13: {  	s17 =	sshrl.u32 s28, $0x3;
	s13 =	sshll.u32 s13, $0x7;
	s14 =	sadd.s32 s20, s0  }
0x14: {  	s0 =	sadd.s32 s23, s0;
	s20 =	ssub.s32 s10, s24;
	s5 =	sadd.s32 s5, s15  }
0x15: {  	s25 =	sadd.s32 s6, s15;
	s10 =	sadd.s32 s26, s3;
	s6 =	sadd.s32 s8, s28  }
0x16: {  	s18 =	sadd.s32 s16, s17;
	s23 =	sadd.s32 s1, s19;
	s24 =	sand.u32 $0xE, s21  }
0x17: {  	s13 =	sand.u32 $0x180, s13;
	s8 =	simm.s32 $0xDA00;
	[dreg:$0xa] =	wrdreg s5  }
0x18: {  	s15 =	simm.s32 $0x5;
	[dreg:$0xb] =	wrdreg s25;
	s6 =	sshrl.u32 s6, $0x3  }
0x19: {  	s22 =	sadd.s32 $0x4800, s18;
	[dreg:$0xe] =	wrdreg s23;
	s25 =	sshll.u32 s12, $0xC  }
0x1a: {  	s12 =	smul.u32 $0x5000, s12;
	s1 =	sadd.s32 s1, s13;
	s0 =	sadd.s32 $0x17A00, s0  }
0x1b: {  	s20 =	smax.u32 s20, $0x1;
	s23 =	simm.s32 $0x1000;
	p1 =	sne.s32 s24, $0xA  }
0x1c: {  	s13 =	simm.s32 $0x1100;
	[dreg:$0xd] =	wrdreg s22;
	s6 =	sadd.s32 s16, s6  }
0x1d: {  	s5 =	sor.u32 s26, s25;
	[dreg:$0x10] =	wrdreg s1;
	s26 =	sadd.s32 $0x15A00, s14  }
0x1e: {  	[dreg:$0x12] =	wrdreg s0;
	s22 =	simm.s32 $0xED88;
	s25 =	simm.s32 $0x6  }
.Ltmp0:
0x1f: {  	s0 =	simm.s32 $0x2;
	[dreg:$0xf] =	wrdreg s6;
	(pc) =	sbr.rel .LBB2_1-.Ltmp0, $4  }
0x20: {  	s1 =	simm.s32 $0x3E8;
	s14 =	simm.s32 $0xF558;
	[dreg:$0x11] =	wrdreg s26  }
0x21: {  	s28 =	sshrl.u32 s5, $0x3;
	s17 =	sadd.s32 s16, s12;
	s26 =	simm.s32 $0x5B80  }
0x22: {  	s12 =	simm.s32 $0xF170;
	s5 =	simm.s32 $0xF940;
	s6 =	simm.s32 $0xFD28  }
0x23: {  	v0 =	vimm.f32 $0.0e+00;
	v1 =	vimm.f32 $1.000000000e+00;
	s16 =	simm.s32 $0x0;
	s19 =	sadd.s32 s11, s28;
	s11 =	simm.s32 $0x1D00  }
.LBB2_9:
0x24: {  	s7 =	rddreg [dreg:$0xc];
	s18 =	simm.s32 $0x1500  }
0x25: {  	[tilespmem:s18], [sflag:$0x6] =	stream.linear.gather [hbm4b:s7+s4], $0x310, $0x38;
	[tilespmem:$0x11210] =	vst v63  }
0x26: {  	_ =	swait.ge [sflag:s25], $0x310  }
0x27: {  	s21 =	simm.s32 $0x9A00;
	[sflag:s25] =	ssyncset.done $0x0  }
0x28: {  	s24 =	simm.s32 $0x310;
	s28 =	rddreg [dreg:$0x8];
	[sflag:s25] =	ssyncadd.s32 $0xFFFFFCF0  }
0x29: {  	[tilespmem:s21], [sflag:$0x6] =	stream.indirect.gather [hbm4b:s28+s24], $0x10, s18, s24, $0xb8;
	[tilespmem:$0x11210] =	vst v63  }
0x2a: {  	_ =	swait.ge [sflag:s25], $0x3100  }
0x2b: {  	[sflag:s25] =	ssyncset.done $0x0  }
0x2c: {  	s28 =	rddreg [dreg:$0xd];
	[sflag:s25] =	ssyncadd.s32 $0xFFFFCF00  }
0x2d: {  	[hbm4b:s28+s4] =	stream.linear.scatter [tilespmem:s21], [sflag:$0x6], $0x3100, $0x38;
	[tilespmem:$0x11210] =	vst v63  }
0x2e: {  	_ =	swait.ge [sflag:s25], $0x3100  }
0x2f: {  	[sflag:s25] =	ssyncset.done $0x0  }
0x30: {  	[sflag:s25] =	ssyncadd.s32 $0xFFFFCF00  }
.LBB2_10:
0x31: {  	_ =	swait.ge [sflag:s29], $0x1000  }
0x32: {  	[sflag:s29] =	ssyncset.done $0x0  }
0x33: {  	[sflag:s29] =	ssyncadd.s32 $0xFFFFF000  }
0x34: {  	_ =	swait.ge [sflag:s30], $0x100  }
0x35: {  	[sflag:s30] =	ssyncset.done $0x0  }
0x36: {  	[sflag:s30] =	ssyncadd.s32 $0xFFFFFF00  }
0x37: {  	_ =	swait.ge [sflag:s31], $0x1388  }
0x38: {  	[sflag:s31] =	ssyncset.done $0x0  }
0x39: {  	[sflag:s31] =	ssyncadd.s32 $0xFFFFEC78  }
0x3a: {  	_ =	swait.ge [sflag:s0], $0x1388  }
0x3b: {  	[sflag:s0] =	ssyncset.done $0x0  }
0x3c: {  	[sflag:s0] =	ssyncadd.s32 $0xFFFFEC78  }
0x3d: {  	[bflag:$0x0] =	sbarrier.arrive $0xFFFF  }
0x3e: {  	[tilespmem:s11], [sflag:$0x1] =	stream.indirect.gather [hbm4b:s17+s1], $0x10, s8, s1, $0xb8;
	[tilespmem:$0x11210] =	vst v63  }
0x3f: {  	s7 =	simm.s32 $0xDDE8  }
0x40: {  	[tilespmem:s26], [sflag:$0x2] =	stream.indirect.gather [hbm4b:s17+s1], $0x10, s7, s1, $0xb8;
	[tilespmem:$0x11210] =	vst v63  }
0x41: {  	_ =	swait.ge [sflag:s31], $0x3E80  }
0x42: {  	[sflag:s31] =	ssyncset.done $0x0  }
0x43: {  	[sflag:s31] =	ssyncadd.s32 $0xFFFFC180  }
0x44: {  	[spmem:s2] =	stream.indirect.scatter.add.f32 [tilespmem:s11], [sflag:$0x3], $0x10, s22, s1, $0xb8;
	[tilespmem:$0x11210] =	vst v63  }
0x45: {  	_ = 	snop  }
0x46: {  	[spmem:s3] =	stream.indirect.scatter.add.f32 [tilespmem:s13], [sflag:$0x5], $0x1, s22, s1, $0xb8;
	[tilespmem:$0x11210] =	vst v63  }
0x47: {  	_ =	swait.ge [sflag:s29], $0x3E80  }
0x48: {  	[sflag:s29] =	ssyncset.done $0x0  }
0x49: {  	s18 =	simm.s32 $0xE1D0;
	[sflag:s29] =	ssyncadd.s32 $0xFFFFC180  }
0x4a: {  	[tilespmem:s11], [sflag:$0x1] =	stream.indirect.gather [hbm4b:s17+s1], $0x10, s18, s1, $0xb8;
	[tilespmem:$0x11210] =	vst v63  }
0x4b: {  	_ =	swait.ge [sflag:s0], $0x3E80  }
0x4c: {  	[sflag:s0] =	ssyncset.done $0x0  }
0x4d: {  	[sflag:s0] =	ssyncadd.s32 $0xFFFFC180  }
0x4e: {  	[spmem:s2] =	stream.indirect.scatter.add.f32 [tilespmem:s26], [sflag:$0x4], $0x10, s12, s1, $0xb8;
	[tilespmem:$0x11210] =	vst v63  }
0x4f: {  	_ = 	snop  }
0x50: {  	[spmem:s3] =	stream.indirect.scatter.add.f32 [tilespmem:s13], [sflag:$0x5], $0x1, s12, s1, $0xb8;
	[tilespmem:$0x11210] =	vst v63  }
0x51: {  	_ =	swait.ge [sflag:s30], $0x3E80  }
0x52: {  	[sflag:s30] =	ssyncset.done $0x0  }
0x53: {  	s21 =	simm.s32 $0xE5B8;
	[sflag:s30] =	ssyncadd.s32 $0xFFFFC180  }
0x54: {  	[tilespmem:s26], [sflag:$0x2] =	stream.indirect.gather [hbm4b:s17+s1], $0x10, s21, s1, $0xb8;
	[tilespmem:$0x11210] =	vst v63  }
0x55: {  	_ =	swait.ge [sflag:s31], $0x3E80  }
0x56: {  	[sflag:s31] =	ssyncset.done $0x0  }
0x57: {  	[sflag:s31] =	ssyncadd.s32 $0xFFFFC180  }
0x58: {  	[spmem:s2] =	stream.indirect.scatter.add.f32 [tilespmem:s11], [sflag:$0x3], $0x10, s14, s1, $0xb8;
	[tilespmem:$0x11210] =	vst v63  }
0x59: {  	_ = 	snop  }
0x5a: {  	[spmem:s3] =	stream.indirect.scatter.add.f32 [tilespmem:s13], [sflag:$0x5], $0x1, s14, s1, $0xb8;
	[tilespmem:$0x11210] =	vst v63  }
0x5b: {  	_ =	swait.ge [sflag:s29], $0x3E80  }
0x5c: {  	[sflag:s29] =	ssyncset.done $0x0  }
0x5d: {  	s24 =	simm.s32 $0xE9A0;
	[sflag:s29] =	ssyncadd.s32 $0xFFFFC180  }
0x5e: {  	[tilespmem:s11], [sflag:$0x1] =	stream.indirect.gather [hbm4b:s17+s1], $0x10, s24, s1, $0xb8;
	[tilespmem:$0x11210] =	vst v63  }
0x5f: {  	_ =	swait.ge [sflag:s0], $0x3E80  }
0x60: {  	[sflag:s0] =	ssyncset.done $0x0  }
0x61: {  	[sflag:s0] =	ssyncadd.s32 $0xFFFFC180  }
0x62: {  	[spmem:s2] =	stream.indirect.scatter.add.f32 [tilespmem:s26], [sflag:$0x4], $0x10, s5, s1, $0xb8;
	[tilespmem:$0x11210] =	vst v63  }
0x63: {  	_ = 	snop  }
0x64: {  	[spmem:s3] =	stream.indirect.scatter.add.f32 [tilespmem:s13], [sflag:$0x5], $0x1, s5, s1, $0xb8;
	[tilespmem:$0x11210] =	vst v63  }
0x65: {  	_ =	swait.ge [sflag:s31], $0x3E80  }
0x66: {  	[sflag:s31] =	ssyncset.done $0x0  }
0x67: {  	[sflag:s31] =	ssyncadd.s32 $0xFFFFC180  }
0x68: {  	[spmem:s2] =	stream.indirect.scatter.add.f32 [tilespmem:s11], [sflag:$0x3], $0x10, s6, s1, $0xb8;
	[tilespmem:$0x11210] =	vst v63  }
0x69: {  	_ = 	snop  }
0x6a: {  	[spmem:s3] =	stream.indirect.scatter.add.f32 [tilespmem:s13], [sflag:$0x5], $0x1, s6, s1, $0xb8;
	[tilespmem:$0x11210] =	vst v63  }
0x6b: {  	_ =	swait.ge [sflag:s30], $0x3E80  }
0x6c: {  	[sflag:s30] =	ssyncset.done $0x0  }
0x6d: {  	[sflag:s30] =	ssyncadd.s32 $0xFFFFC180  }
0x6e: {  	_ =	swait.ge [sflag:s29], $0x3E80  }
0x6f: {  	[sflag:s29] =	ssyncset.done $0x0  }
0x70: {  	[sflag:s29] =	ssyncadd.s32 $0xFFFFC180  }
0x71: {  	_ =	swait.ge [sflag:s15], $0x3E8  }
0x72: {  	[sflag:s15] =	ssyncset.done $0x0  }
0x73: {  	[sflag:s15] =	ssyncadd.s32 $0xFFFFFC18  }
0x74: {  	_ =	swait.ge [sflag:s15], $0x3E8  }
0x75: {  	[sflag:s15] =	ssyncset.done $0x0  }
0x76: {  	[sflag:s15] =	ssyncadd.s32 $0xFFFFFC18  }
0x77: {  	_ =	swait.ge [sflag:s15], $0x3E8  }
0x78: {  	[sflag:s15] =	ssyncset.done $0x0  }
0x79: {  	[sflag:s15] =	ssyncadd.s32 $0xFFFFFC18  }
0x7a: {  	_ =	swait.ge [sflag:s15], $0x3E8  }
0x7b: {  	[sflag:s15] =	ssyncset.done $0x0  }
0x7c: {  	[sflag:s15] =	ssyncadd.s32 $0xFFFFFC18  }
0x7d: {  	_ =	swait.ge [sflag:s15], $0x3E8  }
0x7e: {  	[sflag:s15] =	ssyncset.done $0x0  }
0x7f: {  	[sflag:s15] =	ssyncadd.s32 $0xFFFFFC18  }
0x80: {  	[bflag:$0x0] =	sbarrier.arrive $0xFFFF  }
0x81: {  	[tilespmem:s11], [sflag:$0x6] =	stream.linear.gather [spmem:s9], $0x1000, $0x38;
	[tilespmem:$0x11210] =	vst v63  }
0x82: {  	_ =	swait.ge [sflag:s25], $0x1000  }
0x83: {  	[sflag:s25] =	ssyncset.done $0x0  }
0x84: {  	s28 =	rddreg [dreg:$0x12];
	[sflag:s25] =	ssyncadd.s32 $0xFFFFF000  }
0x85: {  	[hbm4b:s28+s4] =	stream.linear.scatter [tilespmem:s11], [sflag:$0x6], $0x1000, $0x38;
	[tilespmem:$0x11210] =	vst v63  }
0x86: {  	_ =	swait.ge [sflag:s25], $0x1000  }
0x87: {  	[sflag:s25] =	ssyncset.done $0x0  }
0x88: {  	[sflag:s25] =	ssyncadd.s32 $0xFFFFF000  }
0x89: {  	[tilespmem:s23], [sflag:$0x6] =	stream.linear.gather [spmem:s10], $0x100, $0x38;
	[tilespmem:$0x11210] =	vst v63  }
0x8a: {  	s16 =	sadd.s32 $0x1, s16;
	_ =	swait.ge [sflag:s25], $0x100  }
0x8b: {  	p3 =	sne.s32 s16, s20;
	[sflag:s25] =	ssyncset.done $0x0  }
.Ltmp1:
0x8c: {  	[sflag:s25] =	ssyncadd.s32 $0xFFFFFF00;
	(pc) =	sbr.rel @!p3 .LBB2_11-.Ltmp1, $4  }
0x8d: {  	[hbm4b:s19+s4] =	stream.linear.scatter [tilespmem:s23], [sflag:$0x6], $0x100, $0x38;
	[tilespmem:$0x11210] =	vst v63  }
0x8e: {  	_ =	swait.ge [sflag:s25], $0x100  }
0x8f: {  	[sflag:s25] =	ssyncset.done $0x0  }
0x90: {  	[sflag:s25] =	ssyncadd.s32 $0xFFFFFF00  }
.LBB2_1:
0x91: {  	s7 =	rddreg [dreg:$0xa]  }
0x92: {  	[tilespmem:s8], [sflag:$0x1] =	stream.linear.gather [hbm4b:s7+s4], $0x1388, $0x38;
	[tilespmem:$0x11210] =	vst v63  }
0x93: {  	s24 =	rddreg [dreg:$0xb]  }
0x94: {  	[tilespmem:s22], [sflag:$0x2] =	stream.linear.gather [hbm4b:s24+s4], $0x1388, $0x38;
	[tilespmem:$0x11210] =	vst v63  }
0x95: {  	s28 =	simm.s32 $0x0;
	s24 =	simm.s32 $0x40  }
.LBB2_2:
0x96: {  	p3 =	sne.s32 s24, $0x3FC0;
	[tilespmem:s28+$0x0] =	vst v0;
	s28 =	smov.u32 s24;
	s24 =	sadd.s32 $0x40, s24  }
.Ltmp2:
0x97: {  	(pc) =	sbr.rel @p3 .LBB2_2-.Ltmp2, $2  }
0x98: {  	_ =	sdelay $0x2  }
0x99: {  	s28 =	sshra.s32 s28, $0x2  }
0x9a: {  	[tilespmem:s28+$0x0] =	vst v0  }
0x9b: {  	[tilespmem:$0x1000] =	vst v0  }
0x9c: {  	[tilespmem:$0x1010] =	vst v0  }
0x9d: {  	[tilespmem:$0x1020] =	vst v0  }
0x9e: {  	[tilespmem:$0x1030] =	vst v0  }
0x9f: {  	[tilespmem:$0x1040] =	vst v0  }
0xa0: {  	[tilespmem:$0x1050] =	vst v0  }
0xa1: {  	[tilespmem:$0x1060] =	vst v0  }
0xa2: {  	[tilespmem:$0x1070] =	vst v0  }
0xa3: {  	[tilespmem:$0x1080] =	vst v0  }
0xa4: {  	[tilespmem:$0x1090] =	vst v0  }
0xa5: {  	[tilespmem:$0x10A0] =	vst v0  }
0xa6: {  	[tilespmem:$0x10B0] =	vst v0  }
0xa7: {  	[tilespmem:$0x10C0] =	vst v0  }
0xa8: {  	[tilespmem:$0x10D0] =	vst v0  }
0xa9: {  	[tilespmem:$0x10E0] =	vst v0  }
0xaa: {  	s24 =	simm.s32 $0x40;
	s28 =	simm.s32 $0x0;
	[tilespmem:$0x10F0] =	vst v0  }
.LBB2_4:
0xab: {  	p3 =	sne.s32 s24, $0xFC0;
	[tilespmem:s28+$0x1100] =	vst v1;
	s28 =	smov.u32 s24;
	s24 =	sadd.s32 $0x40, s24  }
.Ltmp3:
0xac: {  	(pc) =	sbr.rel @p3 .LBB2_4-.Ltmp3, $2  }
0xad: {  	_ =	sdelay $0x2  }
0xae: {  	s28 =	sshra.s32 s28, $0x2  }
.Ltmp4:
0xaf: {  	(pc) =	sbr.rel @p0 .LBB2_8-.Ltmp4, $4  }
0xb0: {  	[tilespmem:s28+$0x1100] =	vst v1  }
0xb1: {  	[spmem:s9] =	stream.linear.scatter [tilespmem:s4], [sflag:$0x3], $0x1000, $0x38;
	[tilespmem:$0x11210] =	vst v63  }
0xb2: {  	_ = 	snop  }
0xb3: {  	[spmem:s10] =	stream.linear.scatter [tilespmem:s23], [sflag:$0x4], $0x100, $0x38;
	[tilespmem:$0x11210] =	vst v63  }
0xb4: {  	s7 =	rddreg [dreg:$0xe];
	s8 =	simm.s32 $0x1500  }
0xb5: {  	[tilespmem:s8], [sflag:$0x6] =	stream.linear.gather [hbm4b:s7+s4], $0x400, $0x38;
	[tilespmem:$0x11210] =	vst v63  }
0xb6: {  	_ =	swait.ge [sflag:s25], $0x400  }
0xb7: {  	s18 =	simm.s32 $0x400;
	[sflag:s25] =	ssyncset.done $0x0  }
0xb8: {  	s21 =	simm.s32 $0x9A00;
	s24 =	rddreg [dreg:$0x8];
	[sflag:s25] =	ssyncadd.s32 $0xFFFFFC00  }
0xb9: {  	[tilespmem:s21], [sflag:$0x6] =	stream.indirect.gather [hbm4b:s24+s18], $0x10, s8, s18, $0xb8;
	[tilespmem:$0x11210] =	vst v63  }
0xba: {  	_ =	swait.ge [sflag:s25], $0x4000  }
0xbb: {  	[sflag:s25] =	ssyncset.done $0x0  }
.Ltmp5:
0xbc: {  	s28 =	rddreg [dreg:$0xf];
	[sflag:s25] =	ssyncadd.s32 $0xFFFFC000;
	(pc) =	sbr.rel .LBB2_7-.Ltmp5, $4  }
0xbd: {  	[hbm4b:s28+s4] =	stream.linear.scatter [tilespmem:s21], [sflag:$0x6], $0x4000, $0x38;
	[tilespmem:$0x11210] =	vst v63  }
0xbe: {  	_ =	swait.ge [sflag:s25], $0x4000  }
0xbf: {  	[sflag:s25] =	ssyncset.done $0x0  }
0xc0: {  	[sflag:s25] =	ssyncadd.s32 $0xFFFFC000  }
.LBB2_8:
.Ltmp6:
0xc1: {  	(pc) =	sbr.rel @!p2 .LBB2_9-.Ltmp6, $1  }
0xc2: {  	_ =	sdelay $0x3  }
.LBB2_7:
0xc3: {  	s24 =	simm.s32 @!p1 $0x0;
	s28 =	simm.s32 @!p1 $0x1900;
	s7 =	rddreg [dreg:$0x10]  }
0xc4: {  	[tilespmem:s28], [sflag:$0x6] =	stream.linear.gather @!p1 [hbm4b:s7+s24], $0x400, $0x38;
	[tilespmem:$0x11210] =	vst v63  }
0xc5: {  	s7 =	simm.s32 @!p1 $0x6  }
0xc6: {  	_ =	swait.ge @!p1 [sflag:s7], $0x400  }
0xc7: {  	s8 =	simm.s32 @!p1 $0x400;
	[sflag:s7] =	ssyncset.done @!p1 $0x0  }
0xc8: {  	s21 =	simm.s32 @!p1 $0x9A00;
	s18 =	rddreg [dreg:$0x9];
	[sflag:s7] =	ssyncadd.s32 @!p1 $0xFFFFFC00  }
0xc9: {  	[tilespmem:s21], [sflag:$0x6] =	stream.indirect.gather @!p1 [hbm4b:s18+s8], $0x10, s28, s8, $0xb8;
	[tilespmem:$0x11210] =	vst v63  }
0xca: {  	_ =	swait.ge @!p1 [sflag:s7], $0x4000  }
0xcb: {  	[sflag:s7] =	ssyncset.done @!p1 $0x0  }
.Ltmp7:
0xcc: {  	s8 =	rddreg [dreg:$0x11];
	[sflag:s7] =	ssyncadd.s32 @!p1 $0xFFFFC000;
	(pc) =	sbr.rel .LBB2_10-.Ltmp7, $4  }
0xcd: {  	[hbm4b:s8+s24] =	stream.linear.scatter @!p1 [tilespmem:s21], [sflag:$0x6], $0x4000, $0x38;
	[tilespmem:$0x11210] =	vst v63  }
0xce: {  	_ =	swait.ge @!p1 [sflag:s7], $0x4000  }
0xcf: {  	[sflag:s7] =	ssyncset.done @!p1 $0x0  }
0xd0: {  	s8 =	simm.s32 $0xDA00;
	[sflag:s7] =	ssyncadd.s32 @!p1 $0xFFFFC000  }
.LBB2_11:
0xd1: {  	_ =	sfence.sel $0x180000  }
0xd2: {  	[bflag:$0x0] =	sbarrier.arrive $0xFFFF  }
0xd3: {  	_ =	strace $0x90000047  }
0xd4: {  	s0 =	stileid.u32;
	[bflag:$0x2] =	sbarrier.arrive $0xFFFF  }
0xd5: {  	p0 =	sne.s32 s0, $0x0;
	s0 =	rddreg [dreg:$0x7]  }
0xd6: {  	s0 =	sadd.s32 @!p0 $0x100000, s0  }
0xd7: {  	[sflag:s0] =	ssyncadd.tile.s32 @!p0 $0x1;
	_ =	shalt  }
.Lfunc_end2:
_tile_overlayer_lowered:
.L_overlay_start_2:
0xd8: {  	(tag) =	ssettag $0x2  }
0xd9: {  	s0 =	rddreg [dreg:$0x0];
	s2 =	stileid.u32  }
0xda: {  	s1 =	rddreg [dreg:$0x1];
	p0 =	sne.s32 s2, $0x0  }
0xdb: {  	s3 =	rddreg [dreg:$0x2];
	[bflag:$0x3] =	sbarrier.arrive $0xFFFF;
	s2 =	simm.s32 @!p0 $0x1C06  }
0xdc: {  	[timem:s3], [sflag:s2] =	dma.local @!p0 [hbm:s0], s1  }
0xdd: {  	s0 =	simm.s32 @!p0 $0x6  }
0xde: {  	_ =	swait.ge @!p0 [sflag:s0], s1  }
0xdf: {  	s1 =	ssub.s32 @!p0 $0x0, s1;
	[sflag:s0] =	ssyncset.done @!p0 $0x0  }
0xe0: {  	[sflag:s0] =	ssyncadd.s32 @!p0 s1  }
0xe1: {  	[bflag:$0x3] =	sbarrier.arrive $0xFFFF  }
0xe2: {  	_ =	shalt  }

// kernel: kernel.9.cloned.1.call-start
scs
__scs_entry_jumppad:
0x0: {  	(pc) =	sbr.rel $0x88, $3  }
0x1: {  	(tag) =	ssettag $0x0;
	lr =	simm.s32 $0x1  }
0x2: {  	[smem:$0x3F95] =	sst lr;
	_ =	strace $0xD0000000  }
0x3: {  	_ = 	snop  }
0x4: {  	_ = 	snop  }
0x5: {  	_ = 	snop  }
0x6: {  	_ = 	snop  }
0x7: {  	_ = 	snop  }
__scs_overlays_trampoline_lowered:
0x8: {  	[smem:$0x3FA4] =	sst s0  }
0x9: {  	[smem:$0x3FA5] =	sst s1  }
0xa: {  	[smem:$0x3FA6] =	sst s2  }
0xb: {  	[smem:$0x3FA7] =	sst s3  }
0xc: {  	[smem:$0x3FA8] =	sst s4  }
0xd: {  	[smem:$0x3FA9] =	sst s5  }
0xe: {  	[smem:$0x3FAA] =	sst s6  }
0xf: {  	[smem:$0x3FAB] =	sst s7  }
0x10: {  	[smem:$0x3FAC] =	sst s8  }
0x11: {  	[smem:$0x3FAD] =	sst s9;
	s0 =	simm.s32 @!p0 $0x0  }
0x12: {  	s1 =	sld [smem:$0x3F93];
	s0 =	simm.s32 @p0 $0x1  }
0x13: {  	[smem:$0x3FAE] =	sst s0;
	s0 =	simm.s32 @!p1 $0x0  }
0x14: {  	s2 =	sld [smem:$0x3F92];
	s0 =	simm.s32 @p1 $0x1  }
0x15: {  	[smem:$0x3FAF] =	sst s0;
	s0 =	simm.s32 @!p2 $0x0  }
0x16: {  	s3 =	sld [smem:$0x3FDB];
	s0 =	simm.s32 @p2 $0x1  }
0x17: {  	s4 =	simm.s32 $0x1BF5;
	[smem:$0x3FB1] =	sst s0  }
0x18: {  	s0 =	sld [smem:$0x3F94];
	_ =	swait.ge [sflag:s4], $0x0  }
0x19: {  	s7 =	sld [smem:$0x3F95]  }
0x1a: {  	s8 =	sadd.s32 $0xFFFFE003, lr  }
0x1b: {  	s9 =	sadd.s32 $0xFFFFFEF7, lr;
	s5 =	simm.s32 $0xFFFFFFFF;
	p2 =	slt.u32 s8, $0xFFFFF086  }
0x1c: {  	p1 =	slt.u32 s9, $0xF7A;
	s5 =	simm.s32 @!p2 $0x0  }
0x1d: {  	s5 =	simm.s32 @p1 $0x1;
	p0 =	seq.s32 s7, s2  }
0x1e: {  	s7 =	smul.u32 @!p0 $0xF7A, s2;
	p2 =	seq.s32 @!p0 s5, $0x0  }
0x1f: {  	s9 =	smul.u32 $0xF7A, s1;
	s8 =	simm.s32 @!p0 $0x1BF5;
	p2 =	por !p2, p0  }
0x20: {  	[sflag:s8] =	ssyncset.s32 @!p0 $0xFFFFF086;
	s6 =	sadd.s32 @!p0 s3, s7;
	s7 =	simm.s32 @!p0 $0x108  }
0x21: {  	s3 =	sadd.s32 s3, s9;
	s6 =	sadd.s32 @!p0 $0x88, s6;
	s7 =	simm.s32 @p2 $0x1082  }
0x22: {  	[simem:s7], [sflag:s8] =	dma.local @!p0 [hbm:s6], $0xF7A  }
0x23: {  	s9 =	sor.u32 $0xD0000000, s2;
	s6 =	simm.s32 $0x108;
	_ =	swait.ge @!p0 [sflag:s8], $0x0  }
0x24: {  	s3 =	sadd.s32 $0x88, s3;
	s6 =	simm.s32 @!p1 $0x1082;
	[sflag:s4] =	ssyncset.s32 $0xFFFFF086  }
0x25: {  	[simem:s6], [sflag:s4] =	dma.local [hbm:s3], $0xF7A  }
0x26: {  	[smem:$0x3F95] =	sst s1;
	(tag) =	ssettag s2;
	_ =	strace s9  }
0x27: {  	s1 =	sld [smem:$0x3FA5]  }
0x28: {  	s2 =	sld [smem:$0x3FA6]  }
0x29: {  	s4 =	sld [smem:$0x3FA8]  }
0x2a: {  	p0 =	seq.s32 s5, $0x0;
	s5 =	sld [smem:$0x3FA9]  }
0x2b: {  	s6 =	sld [smem:$0x3FAA]  }
0x2c: {  	s7 =	sld [smem:$0x3FAB]  }
0x2d: {  	s3 =	simm.s32 $0x108;
	s8 =	sld [smem:$0x3FAC]  }
0x2e: {  	s3 =	simm.s32 @!p0 $0x1082;
	s9 =	sld [smem:$0x3FAD]  }
0x2f: {  	lr =	sadd.s32 s0, s3;
	s0 =	sld [smem:$0x3FA4]  }
0x30: {  	s3 =	sld [smem:$0x3FA7]  }
0x31: {  	[smem:$0x3FB0] =	sst s10  }
0x32: {  	s10 =	sld [smem:$0x3FAE];
	_ =	sdelay $0x3  }
0x33: {  	p0 =	seq.s32 s10, $0x1;
	s10 =	sld [smem:$0x3FB0];
	_ =	sdelay $0x3  }
0x34: {  	[smem:$0x3FB0] =	sst s10  }
0x35: {  	s10 =	sld [smem:$0x3FAF];
	_ =	sdelay $0x3  }
0x36: {  	p1 =	seq.s32 s10, $0x1;
	s10 =	sld [smem:$0x3FB0];
	_ =	sdelay $0x3  }
0x37: {  	[smem:$0x3FB0] =	sst s10  }
0x38: {  	s10 =	sld [smem:$0x3FB1]  }
0x39: {  	_ = 	snop;
	(pc) =	sbr.ind lr, $3  }
0x3a: {  	_ = 	snop  }
0x3b: {  	_ = 	snop  }
0x3c: {  	p2 =	seq.s32 s10, $0x1;
	s10 =	sld [smem:$0x3FB0]  }
0x3d: {  	_ =	shalt  }
0x3e: {  	_ =	shalt  }
0x3f: {  	_ =	shalt  }
0x40: {  	_ =	shalt  }
0x41: {  	_ =	shalt  }
0x42: {  	_ =	shalt  }
0x43: {  	_ =	shalt  }
0x44: {  	_ =	shalt  }
0x45: {  	_ =	shalt  }
0x46: {  	_ =	shalt  }
0x47: {  	_ =	shalt  }
0x48: {  	_ =	shalt  }
0x49: {  	_ =	shalt  }
0x4a: {  	_ =	shalt  }
0x4b: {  	_ =	shalt  }
0x4c: {  	_ =	shalt  }
0x4d: {  	_ =	shalt  }
0x4e: {  	_ =	shalt  }
0x4f: {  	_ =	shalt  }
0x50: {  	_ =	shalt  }
0x51: {  	_ =	shalt  }
0x52: {  	_ =	shalt  }
0x53: {  	_ =	shalt  }
0x54: {  	_ =	shalt  }
0x55: {  	_ =	shalt  }
0x56: {  	_ =	shalt  }
0x57: {  	_ =	shalt  }
0x58: {  	_ =	shalt  }
0x59: {  	_ =	shalt  }
0x5a: {  	_ =	shalt  }
0x5b: {  	_ =	shalt  }
0x5c: {  	_ =	shalt  }
0x5d: {  	_ =	shalt  }
0x5e: {  	_ =	shalt  }
0x5f: {  	_ =	shalt  }
0x60: {  	_ =	shalt  }
0x61: {  	_ =	shalt  }
0x62: {  	_ =	shalt  }
0x63: {  	_ =	shalt  }
0x64: {  	_ =	shalt  }
0x65: {  	_ =	shalt  }
0x66: {  	_ =	shalt  }
0x67: {  	_ =	shalt  }
0x68: {  	_ =	shalt  }
0x69: {  	_ =	shalt  }
0x6a: {  	_ =	shalt  }
0x6b: {  	_ =	shalt  }
0x6c: {  	_ =	shalt  }
0x6d: {  	_ =	shalt  }
0x6e: {  	_ =	shalt  }
0x6f: {  	_ =	shalt  }
0x70: {  	_ =	shalt  }
0x71: {  	_ =	shalt  }
0x72: {  	_ =	shalt  }
0x73: {  	_ =	shalt  }
0x74: {  	_ =	shalt  }
0x75: {  	_ =	shalt  }
0x76: {  	_ =	shalt  }
0x77: {  	_ =	shalt  }
0x78: {  	_ =	shalt  }
0x79: {  	_ =	shalt  }
0x7a: {  	_ =	shalt  }
0x7b: {  	_ =	shalt  }
0x7c: {  	_ =	shalt  }
0x7d: {  	_ =	shalt  }
0x7e: {  	_ =	shalt  }
0x7f: {  	_ =	shalt  }
0x80: {  	_ =	shalt  }
0x81: {  	_ =	shalt  }
0x82: {  	_ =	shalt  }
0x83: {  	_ =	shalt  }
0x84: {  	_ =	shalt  }
0x85: {  	_ =	shalt  }
0x86: {  	_ =	shalt  }
0x87: {  	_ =	shalt  }
.Lfunc_end0:
.L_simem_size_0:
called_computation.1_lowered:
.L_overlay_start_0:
0x88: {  	s2 =	sld [smem:$0x3FD9]  }
0x89: {  	s3 =	sld [smem:$0x3FFE];
	_ =	sdelay $0x1  }
0x8a: {  	s1 =	srdreg.scid  }
0x8b: {  	s0 =	sand.u32 $0x1, s1  }
0x8c: {  	s17 =	sshll.u32 s0, $0xA;
	s2 =	sadd.s32 s3, s2  }
0x8d: {  	s2 =	sadd.s32 s2, s17  }
0x8e: {  	[smem:$0x3FBC] =	sst s2  }
0x8f: {  	_ = 	snop  }
0x90: {  	s2 =	sld [smem:$0x3FC5]  }
0x91: {  	s18 =	sld [smem:$0x3FC4]  }
0x92: {  	s4 =	sld [smem:$0x3FC1]  }
0x93: {  	s5 =	sld [smem:$0x3FD0];
	(tm) =	ssettm $0x1  }
0x94: {  	s6 =	sld [smem:$0x3FFB];
	_ =	sdelay $0x3  }
0x95: {  	_ =	strace s6  }
0x96: {  	s6 =	sld [smem:$0x3FFC];
	_ =	sdelay $0x3  }
0x97: {  	_ =	strace s6  }
0x98: {  	s6 =	sld [smem:$0x3FFD];
	_ =	sdelay $0x3  }
0x99: {  	_ =	strace s6  }
0x9a: {  	_ =	strace $0x8FFFFFFF  }
0x9b: {  	s19 =	sld [smem:$0x3FDB];
	_ =	sdelay $0x1  }
0x9c: {  	s7 =	simm.s32 $_scs_section_size  }
0x9d: {  	s8 =	simm.s32 $_size__tile_overlayer_lowered;
	s9 =	simm.s32 $_tile_overlayer_lowered  }
0x9e: {  	s22 =	simm.s32 $0x1BFF;
	s21 =	sshll.u32 s9, $0x1;
	s6 =	sadd.s32 s7, s19  }
0x9f: {  	s10 =	simm.s32 $0x0;
	s20 =	sshll.u32 s8, $0x1;
	s8 =	sadd.s32 s21, s6  }
0xa0: {  	[timem:s10], [sflag:s22] =	dma.local [hbm:s8], s20  }
0xa1: {  	_ =	swait.ge [sflag:s22], s20  }
0xa2: {  	s7 =	ssub.s32 $0x0, s20;
	[sflag:s22] =	ssyncset.done $0x0  }
0xa3: {  	[sflag:s22] =	ssyncadd.s32 s7;
	_ =	sdelay $0x1  }
0xa4: {  	s23 =	simm.s32 $0x1B8B  }
0xa5: {  	_ =	swait.ge [sflag:s23], $0x1  }
0xa6: {  	[sflag:s23] =	ssyncset.done $0x0  }
0xa7: {  	s25 =	simm.s32 $0x1B8E;
	s24 =	sld [smem:$0x3FFE];
	[sflag:s23] =	ssyncadd.s32 $0xFFFFFFFF  }
0xa8: {  	s26 =	simm.s32 $execute0_lowered;
	[smem:$0x3FD2] =	sst s25  }
0xa9: {  	s8 =	sshll.u32 s26, $0x1;
	_ =	strace $0x80000049;
	[dreg:$0x1] =	wrdreg $0xFFFFFFFF  }
0xaa: {  	s28 =	simm.s32 $_size_execute0_lowered;
	s6 =	sadd.s32 s6, s8;
	[dreg:$0x0] =	wrdreg $0x0  }
0xab: {  	s8 =	sshll.u32 s28, $0x1;
	[dreg:$0x2] =	wrdreg s6  }
0xac: {  	[dreg:$0x3] =	wrdreg s8  }
0xad: {  	[dreg:$0x4] =	wrdreg $0xC0  }
0xae: {  	_ =	task [dreg:s10], $0x5FFFF  }
0xaf: {  	[dreg:$0x1] =	wrdreg $0xFFFFFFFF  }
0xb0: {  	[dreg:$0x0] =	wrdreg $0x60  }
0xb1: {  	[dreg:$0x2] =	wrdreg s24  }
0xb2: {  	[dreg:$0x3] =	wrdreg s5  }
0xb3: {  	[dreg:$0x4] =	wrdreg s4  }
0xb4: {  	[dreg:$0x5] =	wrdreg s2  }
0xb5: {  	[dreg:$0x6] =	wrdreg s18  }
0xb6: {  	[dreg:$0x7] =	wrdreg $0xDA500  }
0xb7: {  	[dreg:$0x8] =	wrdreg $0xDE500  }
0xb8: {  	[dreg:$0x9] =	wrdreg $0x9  }
0xb9: {  	_ =	task.clear_ibuf [dreg:s10], $0xAFFFF;
	_ =	strace $0x90000049  }
0xba: {  	s29 =	simm.s32 $0x9;
	_ =	strace $0x8000004B  }
0xbb: {  	_ =	swait.ge [sflag:s29], $0x1  }
0xbc: {  	[sflag:s29] =	ssyncadd.s32 $0xFFFFFFFF  }
0xbd: {  	_ =	strace $0x9000004B  }
0xbe: {  	_ =	sfence  }
0xbf: {  	s30 =	sld [smem:$0x0];
	_ =	sdelay $0x2  }
0xc0: {  	s31 =	sshll.u32 s1, $0xD;
	s1 =	sshrl.u32 s1, $0x2  }
0xc1: {  	s3 =	sand.u32 $0x4000, s31;
	s1 =	sadd.s32 s1, s30  }
0xc2: {  	s0 =	sor.u32 s3, s0;
	s1 =	sshll.u32 s1, $0x11  }
0xc3: {  	s0 =	sor.u32 s1, s0  }
0xc4: {  	s0 =	sadd.s32 $0x8F2B, s0  }
0xc5: {  	[sflag:s0] =	ssyncadd.remote.s32 $0x1  }
0xc6: {  	_ =	sfence.sel $0xFFFF  }
0xc7: {  	[dreg:$0x0] =	wrdreg $0xFFFFFFFF;
	(pc) =	sbr.abs _section_cstart, $3  }
0xc8: {  	[dreg:$0x1] =	wrdreg $0xFFFFFFFF  }
0xc9: {  	_ =	task.clear_ibuf [dreg:s10], $0x2FFFF;
	_ =	strace $0x9FFFFFFF  }
0xca: {  	(tm) =	ssettm $0x7FFFFFFF  }
0xcb: {  	_ =	shalt  }
tec
execute0_lowered:
.L_overlay_start_1:
0x0: {  	(tag) =	ssettag $0x1  }
0x1: {  	s0 =	rddreg [dreg:$0x0]  }
0x2: {  	s1 =	rddreg [dreg:$0x1]  }
0x3: {  	s2 =	rddreg [dreg:$0x3]  }
0x4: {  	s3 =	rddreg [dreg:$0x4]  }
0x5: {  	s10 =	rddreg [dreg:$0x5]  }
0x6: {  	s12 =	rddreg [dreg:$0x6];
	s4 =	simm.s32 $0x0  }
0x7: {  	s13 =	stileid.u32;
	s11 =	srdreg.scid;
	s28 =	simm.s32 $0x3  }
0x8: {  	s29 =	simm.s32 $0x4;
	s30 =	simm.s32 $0xC650;
	s31 =	simm.s32 $0x6  }
0x9: {  	[smem:$0x7FF] =	sst s4;
	s5 =	sshll.u32 s13, $0x9;
	s4 =	sand.u32 $0x1, s11  }
0xa: {  	s8 =	sadd.s32 $0x17A00, s0;
	s11 =	sadd.s32 $0x5A00, s0;
	s15 =	sshll.u32 s13, $0xA  }
0xb: {  	s14 =	sshll.u32 s13, $0x6;
	s17 =	sshll.u32 s13, $0x5;
	p0 =	slt.u32 s13, $0x4  }
0xc: {  	_ =	strace $0x8000004A;
	s9 =	sadd.s32 s5, s0;
	s6 =	ssub.s32 $0x2, s4  }
0xd: {  	s0 =	sadd.s32 $0x1A00, s0;
	s16 =	sadd.s32 s8, s5;
	s5 =	sor.u32 $0x2000, s5  }
0xe: {  	s18 =	sshll.u32 s4, $0x10;
	p1 =	seq.s32 s4, $0x0;
	s22 =	sshll.u32 s4, $0xB  }
0xf: {  	s23 =	sshll.u32 s4, $0xE;
	s25 =	sshll.u32 s4, $0xD;
	s7 =	sshrl.u32 s6, $0x1  }
0x10: {  	[dreg:$0x8] =	wrdreg s16;
	s8 =	sadd.s32 s8, s5;
	s21 =	sadd.s32 $0x15A00, s9  }
0x11: {  	p0 =	por !p0, !p1;
	s24 =	sor.u32 s15, s23;
	s23 =	simm.s32 $0x1  }
0x12: {  	s20 =	ssub.s32 s6, s7;
	s6 =	sadd.s32 s15, s10;
	s7 =	sadd.s32 s14, s12  }
0x13: {  	s14 =	sshll.u32 s13, $0xC;
	[dreg:$0x9] =	wrdreg s8;
	s10 =	sadd.s32 s1, s17  }
0x14: {  	[dreg:$0xb] =	wrdreg s21;
	p0 =	por !p0, !p0;
	s26 =	sshrl.u32 s24, $0x3  }
0x15: {  	s17 =	sadd.s32 s0, s25;
	s21 =	simm.s32 $0x400;
	s25 =	simm.s32 $0x5  }
0x16: {  	s24 =	simm.s32 $0xD650;
	s12 =	simm.s32 $0x4640;
	s19 =	sadd.s32 $0x200, s10  }
0x17: {  	s1 =	sor.u32 s14, s18;
	s18 =	sadd.s32 s11, s26;
	s20 =	smax.u32 s20, $0x1  }
0x18: {  	s26 =	simm.s32 $0x2;
	[dreg:$0xa] =	wrdreg s19;
	s1 =	sshrl.u32 s1, $0x3  }
0x19: {  	s19 =	sadd.s32 $0x1000, s18;
	s13 =	sadd.s32 s0, s1;
	s1 =	sor.u32 s22, s14  }
0x1a: {  	s14 =	sadd.s32 s11, s5;
	s22 =	simm.s32 $0x2440;
	s1 =	sshrl.u32 s1, $0x3  }
0x1b: {  	s0 =	simm.s32 $0xCE50;
	s15 =	sadd.s32 s2, s1;
	s16 =	sadd.s32 s3, s1  }
0x1c: {  	v0 =	vimm.f32 $0.0e+00;
	v1 =	vimm.f32 $1.000000000e+00;
	s3 =	simm.s32 $0x4650;
	s1 =	simm.s32 $0xD250;
	s2 =	simm.s32 $0x0  }
.LBB2_1:
0x1d: {  	s4 =	simm.s32 $0x40;
	s5 =	simm.s32 $0x0  }
.LBB2_2:
0x1e: {  	p1 =	sne.s32 s4, $0xFC0;
	[tilespmem:s5+$0x0] =	vst v0;
	s5 =	smov.u32 s4;
	s4 =	sadd.s32 $0x40, s4  }
.Ltmp0:
0x1f: {  	(pc) =	sbr.rel @p1 .LBB2_2-.Ltmp0, $2  }
0x20: {  	_ =	sdelay $0x2  }
0x21: {  	s5 =	sshra.s32 s5, $0x2  }
0x22: {  	[tilespmem:s5+$0x0] =	vst v0  }
0x23: {  	[tilespmem:$0x400] =	vst v0  }
0x24: {  	[tilespmem:$0x410] =	vst v0  }
0x25: {  	[tilespmem:$0x420] =	vst v0  }
0x26: {  	s4 =	simm.s32 $0x40;
	s5 =	simm.s32 $0x0;
	[tilespmem:$0x430] =	vst v0  }
.LBB2_4:
0x27: {  	p1 =	sne.s32 s4, $0xFC0;
	[tilespmem:s5+$0xD650] =	vst v1;
	s5 =	smov.u32 s4;
	s4 =	sadd.s32 $0x40, s4  }
.Ltmp1:
0x28: {  	(pc) =	sbr.rel @p1 .LBB2_4-.Ltmp1, $2  }
0x29: {  	_ =	sdelay $0x2  }
0x2a: {  	s5 =	sshra.s32 s5, $0x2  }
0x2b: {  	[tilespmem:s5+$0xD650] =	vst v1;
	s9 =	simm.s32 $0x0  }
0x2c: {  	[spmem:s6] =	stream.linear.scatter [tilespmem:s9], [sflag:$0x3], $0x400, $0x38;
	[tilespmem:$0xDE90] =	vst v63  }
0x2d: {  	_ = 	snop  }
0x2e: {  	[spmem:s7] =	stream.linear.scatter [tilespmem:s21], [sflag:$0x4], $0x40, $0x38;
	[tilespmem:$0xDE90] =	vst v63  }
0x2f: {  	s4 =	simm.s32 $0x440;
	s8 =	rddreg [dreg:$0x8]  }
0x30: {  	[tilespmem:s4], [sflag:$0x5] =	stream.linear.gather [hbm4b:s8+s9], $0x1000, $0x38;
	[tilespmem:$0xDE90] =	vst v63  }
0x31: {  	s5 =	simm.s32 $0x1440;
	s8 =	rddreg [dreg:$0x9]  }
0x32: {  	[tilespmem:s5], [sflag:$0x5] =	stream.linear.gather [hbm4b:s8+s9], $0x1000, $0x38;
	[tilespmem:$0xDE90] =	vst v63  }
0x33: {  	_ = 	snop  }
0x34: {  	[tilespmem:s22], [sflag:$0x5] =	stream.linear.gather [hbm4b:s10+s9], $0x100, $0x38;
	[tilespmem:$0xDE90] =	vst v63  }
0x35: {  	s11 =	simm.s32 $0x2540;
	s8 =	rddreg [dreg:$0xa]  }
0x36: {  	[tilespmem:s11], [sflag:$0x5] =	stream.linear.gather [hbm4b:s8+s9], $0x100, $0x38;
	[tilespmem:$0xDE90] =	vst v63  }
0x37: {  	s8 =	simm.s32 $0x2640;
	s11 =	rddreg [dreg:$0xb]  }
0x38: {  	[tilespmem:s8], [sflag:$0x5] =	stream.linear.gather [hbm4b:s11+s9], $0x1000, $0x38;
	[tilespmem:$0xDE90] =	vst v63  }
0x39: {  	s11 =	rddreg [dreg:$0x2]  }
0x3a: {  	[tilespmem:s12], [sflag:$0x5] =	stream.linear.gather [hbm4b:s11+s9], $0x10, $0x38;
	[tilespmem:$0xDE90] =	vst v63  }
0x3b: {  	_ =	swait.ge [sflag:s25], $0x1000  }
0x3c: {  	[sflag:s25] =	ssyncset.done $0x0  }
0x3d: {  	[sflag:s25] =	ssyncadd.s32 $0xFFFFF000  }
0x3e: {  	_ =	swait.ge [sflag:s25], $0x1000  }
0x3f: {  	[sflag:s25] =	ssyncset.done $0x0  }
0x40: {  	[sflag:s25] =	ssyncadd.s32 $0xFFFFF000  }
0x41: {  	_ =	swait.ge [sflag:s25], $0x100  }
0x42: {  	[sflag:s25] =	ssyncset.done $0x0  }
0x43: {  	[sflag:s25] =	ssyncadd.s32 $0xFFFFFF00  }
0x44: {  	_ =	swait.ge [sflag:s25], $0x100  }
0x45: {  	[sflag:s25] =	ssyncset.done $0x0  }
0x46: {  	[sflag:s25] =	ssyncadd.s32 $0xFFFFFF00  }
0x47: {  	_ =	swait.ge [sflag:s25], $0x1000  }
0x48: {  	[sflag:s25] =	ssyncset.done $0x0  }
0x49: {  	[sflag:s25] =	ssyncadd.s32 $0xFFFFF000  }
0x4a: {  	_ =	swait.ge [sflag:s25], $0x10  }
0x4b: {  	[sflag:s25] =	ssyncset.done $0x0  }
0x4c: {  	[sflag:s25] =	ssyncadd.s32 $0xFFFFFFF0  }
0x4d: {  	v2 =	vld [tilespmem:$0x2440]  }
0x4e: {  	v3 =	vld [tilespmem:$0x2540]  }
0x4f: {  	v4 =	vld [tilespmem:$0x2450]  }
0x50: {  	v5 =	vld [tilespmem:$0x2550]  }
0x51: {  	v6 =	vld [tilespmem:$0x2460]  }
0x52: {  	v7 =	vld [tilespmem:$0x2560]  }
0x53: {  	v8 =	vld [tilespmem:$0x2470]  }
0x54: {  	v9 =	vld [tilespmem:$0x2570]  }
0x55: {  	v10 =	vld [tilespmem:$0x2480]  }
0x56: {  	v11 =	vld [tilespmem:$0x2580]  }
0x57: {  	v12 =	vld [tilespmem:$0x2490]  }
0x58: {  	v13 =	vld [tilespmem:$0x2590]  }
0x59: {  	v14 =	vld [tilespmem:$0x24A0]  }
0x5a: {  	v15 =	vld [tilespmem:$0x25A0]  }
0x5b: {  	v16 =	vld [tilespmem:$0x24B0]  }
0x5c: {  	v17 =	vld [tilespmem:$0x25B0]  }
0x5d: {  	v18 =	vld [tilespmem:$0x24C0]  }
0x5e: {  	v19 =	vld [tilespmem:$0x25C0]  }
0x5f: {  	v20 =	vld [tilespmem:$0x24D0]  }
0x60: {  	v21 =	vld [tilespmem:$0x25D0]  }
0x61: {  	v22 =	vld [tilespmem:$0x24E0]  }
0x62: {  	v58 =	vld [tilespmem:$0x2600];
	v2 =	vadd.f32 v3, v2  }
0x63: {  	v59 =	vld [tilespmem:$0x2510];
	v4 =	vadd.f32 v5, v4  }
0x64: {  	v60 =	vld [tilespmem:$0x2610];
	[tilespmem:$0x2440] =	vst v2;
	v2 =	vadd.f32 v7, v6  }
0x65: {  	v61 =	vld [tilespmem:$0x2520];
	[tilespmem:$0x2450] =	vst v4;
	v4 =	vadd.f32 v9, v8  }
0x66: {  	v3 =	vld [tilespmem:$0x25E0];
	[tilespmem:$0x2460] =	vst v2;
	v2 =	vadd.f32 v11, v10  }
0x67: {  	v5 =	vld [tilespmem:$0x24F0];
	[tilespmem:$0x2470] =	vst v4;
	v4 =	vadd.f32 v13, v12  }
0x68: {  	v6 =	vld [tilespmem:$0x25F0];
	[tilespmem:$0x2480] =	vst v2;
	v2 =	vadd.f32 v15, v14  }
0x69: {  	v7 =	vld [tilespmem:$0x2500];
	[tilespmem:$0x2490] =	vst v4;
	v4 =	vadd.f32 v17, v16  }
0x6a: {  	v62 =	vld [tilespmem:$0x2620];
	[tilespmem:$0x24A0] =	vst v2;
	v2 =	vadd.f32 v19, v18  }
0x6b: {  	v63 =	vld [tilespmem:$0x2530];
	[tilespmem:$0x24B0] =	vst v4;
	v4 =	vadd.f32 v21, v20  }
0x6c: {  	[tilespmem:$0x24C0] =	vst v2;
	v2 =	vadd.f32 v3, v22;
	v3 =	vld [tilespmem:$0x2630]  }
0x6d: {  	[tilespmem:$0x24D0] =	vst v4;
	v4 =	vadd.f32 v6, v5  }
0x6e: {  	[tilespmem:$0x24E0] =	vst v2;
	v2 =	vadd.f32 v58, v7  }
0x6f: {  	v5 =	vmov s9;
	[tilespmem:$0x24F0] =	vst v4;
	v4 =	vadd.f32 v60, v59  }
0x70: {  	[tilespmem:$0x2500] =	vst v2;
	v2 =	vadd.f32 v62, v61  }
0x71: {  	[tilespmem:$0x2510] =	vst v4;
	v3 =	vadd.f32 v3, v63  }
0x72: {  	[tilespmem:$0x2520] =	vst v2  }
0x73: {  	[tilespmem:$0x2530] =	vst v3  }
0x74: {  	v2 =	vld.idx.msk [tilespmem:v5+s22+$0x0], $0xffff;
	_ =	sdelay $0x4  }
0x75: {  	v2 =	vmax.f32 v2, $1.000000000e+00  }
0x76: {  	(erf) = vrcp.f32 v2;
	_ =	sdelay $0x1  }
0x77: {  	v3 =	vld [tilespmem:s5+$0x0]  }
0x78: {  	v2 =	vld [tilespmem:s4+$0x0];
	_ =	sdelay $0x3  }
0x79: {  	v4 =	vld [tilespmem:s8+$0x0]  }
0x7a: {  	v2 =	vadd.f32 v3, v2  }
0x7b: {  	v3 =	vld [tilespmem:$0x4640];
	v5 =	vpop (erf)  }
0x7c: {  	v2 =	vmul.f32 v2, v5;
	_ =	sdelay $0x1  }
0x7d: {  	s11 =	simm.s32 $0x1;
	v2 =	vadd.f32 v2, v4  }
0x7e: {  	v4 =	vmov s11  }
0x7f: {  	v2 =	vadd.f32 v2, v3;
	_ =	sdelay $0x1  }
0x80: {  	s4 =	simm.s32 $0x3640;
	v2 =	vmax.f32 v2, $0.0e+00  }
0x81: {  	[tilespmem:s4+$0x0] =	vst v2  }
0x82: {  	v2 =	vld.idx.msk [tilespmem:v4+s22+$0x0], $0xffff;
	_ =	sdelay $0x4  }
0x83: {  	v2 =	vmax.f32 v2, $1.000000000e+00  }
0x84: {  	(erf) = vrcp.f32 v2  }
0x85: {  	s8 =	simm.s32 $0x1450  }
0x86: {  	s5 =	simm.s32 $0x450;
	v3 =	vld [tilespmem:s8+$0x0]  }
0x87: {  	v2 =	vld [tilespmem:s5+$0x0];
	_ =	sdelay $0x3  }
0x88: {  	s9 =	simm.s32 $0x2650  }
0x89: {  	v4 =	vld [tilespmem:s9+$0x0];
	v2 =	vadd.f32 v3, v2  }
0x8a: {  	v3 =	vpop (erf)  }
0x8b: {  	v2 =	vmul.f32 v2, v3;
	v3 =	vld [tilespmem:$0x4640];
	_ =	sdelay $0x2  }
0x8c: {  	s11 =	simm.s32 $0x2;
	v4 =	vadd.f32 v2, v4  }
0x8d: {  	v2 =	vmov s11;
	s11 =	simm.s32 $0x3  }
.LBB2_6:
0x8e: {  	p1 =	sne.s32 s11, $0xFF;
	v3 =	vadd.f32 v4, v3;
	_ =	sdelay $0x1  }
0x8f: {  	s4 =	sadd.s32 $0x10, s4;
	v3 =	vmax.f32 v3, $0.0e+00  }
0x90: {  	[tilespmem:s4+$0x0] =	vst v3  }
0x91: {  	v2 =	vld.idx.msk [tilespmem:v2+s22+$0x0], $0xffff;
	_ =	sdelay $0x5  }
0x92: {  	v2 =	vmax.f32 v2, $1.000000000e+00  }
0x93: {  	(erf) = vrcp.f32 v2  }
0x94: {  	s5 =	sadd.s32 $0x10, s5  }
0x95: {  	s8 =	sadd.s32 $0x10, s8;
	v2 =	vld [tilespmem:s5+$0x0]  }
0x96: {  	v3 =	vld [tilespmem:s8+$0x0];
	_ =	sdelay $0x2  }
0x97: {  	s9 =	sadd.s32 $0x10, s9  }
0x98: {  	v4 =	vld [tilespmem:s9+$0x0]  }
0x99: {  	v2 =	vadd.f32 v3, v2  }
.Ltmp2:
0x9a: {  	v3 =	vld [tilespmem:$0x4640];
	v5 =	vpop (erf);
	(pc) =	sbr.rel @p1 .LBB2_6-.Ltmp2, $3  }
0x9b: {  	v2 =	vmul.f32 v2, v5;
	_ =	sdelay $0x1  }
0x9c: {  	v4 =	vadd.f32 v2, v4  }
0x9d: {  	v2 =	vmov s11;
	s11 =	sadd.s32 $0x1, s11  }
0x9e: {  	v3 =	vadd.f32 v4, v3;
	_ =	sdelay $0x1  }
0x9f: {  	s4 =	sadd.s32 $0x10, s4;
	v3 =	vmax.f32 v3, $0.0e+00  }
0xa0: {  	[tilespmem:s4+$0x0] =	vst v3  }
0xa1: {  	v2 =	vld.idx.msk [tilespmem:v2+s22+$0x0], $0xffff;
	_ =	sdelay $0x4  }
0xa2: {  	v2 =	vmax.f32 v2, $1.000000000e+00  }
0xa3: {  	(erf) = vrcp.f32 v2  }
0xa4: {  	s8 =	sadd.s32 $0x10, s8  }
0xa5: {  	s5 =	sadd.s32 $0x10, s5;
	v3 =	vld [tilespmem:s8+$0x0]  }
0xa6: {  	v2 =	vld [tilespmem:s5+$0x0];
	_ =	sdelay $0x2  }
0xa7: {  	s11 =	sadd.s32 $0x10, s9  }
0xa8: {  	v4 =	vld [tilespmem:s11+$0x0]  }
0xa9: {  	v2 =	vadd.f32 v3, v2  }
0xaa: {  	v3 =	vld [tilespmem:$0x4640];
	v5 =	vpop (erf)  }
0xab: {  	v2 =	vmul.f32 v2, v5;
	_ =	sdelay $0x1  }
0xac: {  	v2 =	vadd.f32 v2, v4;
	_ =	sdelay $0x1  }
0xad: {  	v2 =	vadd.f32 v2, v3;
	_ =	sdelay $0x1  }
0xae: {  	s4 =	sadd.s32 $0x10, s4;
	v2 =	vmax.f32 v2, $0.0e+00  }
0xaf: {  	s9 =	simm.s32 $0x3640;
	s8 =	simm.s32 $0x0;
	[tilespmem:s4+$0x0] =	vst v2  }
0xb0: {  	[hbm4b:s13+s8] =	stream.linear.scatter [tilespmem:s9], [sflag:$0x5], $0x1000, $0x38;
	[tilespmem:$0xDE90] =	vst v63  }
0xb1: {  	s5 =	simm.s32 @p0 $0x3640;
	s4 =	simm.s32 @p0 $0x0  }
0xb2: {  	[hbm4b:s14+s4] =	stream.linear.scatter @p0 [tilespmem:s5], [sflag:$0x6], $0x1000, $0x38;
	[tilespmem:$0xDE90] =	vst v63  }
0xb3: {  	s4 =	simm.s32 @p0 $0x6  }
0xb4: {  	_ =	swait.ge @p0 [sflag:s4], $0x1000  }
0xb5: {  	[sflag:s4] =	ssyncset.done @p0 $0x0  }
0xb6: {  	[sflag:s4] =	ssyncadd.s32 @p0 $0xFFFFF000  }
0xb7: {  	_ =	swait.ge [sflag:s28], $0x400  }
0xb8: {  	[sflag:s28] =	ssyncset.done $0x0  }
0xb9: {  	[sflag:s28] =	ssyncadd.s32 $0xFFFFFC00  }
0xba: {  	_ =	swait.ge [sflag:s29], $0x40  }
0xbb: {  	[sflag:s29] =	ssyncset.done $0x0  }
0xbc: {  	[sflag:s29] =	ssyncadd.s32 $0xFFFFFFC0  }
0xbd: {  	_ =	swait.ge [sflag:s25], $0x1000  }
0xbe: {  	[sflag:s25] =	ssyncset.done $0x0  }
0xbf: {  	[sflag:s25] =	ssyncadd.s32 $0xFFFFF000  }
0xc0: {  	s5 =	simm.s32 $0x0;
	[bflag:$0x0] =	sbarrier.arrive $0xFFFF  }
0xc1: {  	[tilespmem:s30], [sflag:$0x6] =	stream.linear.gather [hbm4b:s15+s5], $0x800, $0x38;
	[tilespmem:$0xDE90] =	vst v63  }
0xc2: {  	_ =	swait.ge [sflag:s31], $0x800  }
0xc3: {  	[sflag:s31] =	ssyncset.done $0x0  }
0xc4: {  	[sflag:s31] =	ssyncadd.s32 $0xFFFFF800  }
0xc5: {  	[tilespmem:s0], [sflag:$0x6] =	stream.linear.gather [hbm4b:s16+s5], $0x800, $0x38;
	[tilespmem:$0xDE90] =	vst v63  }
0xc6: {  	_ =	swait.ge [sflag:s31], $0x800  }
0xc7: {  	[sflag:s31] =	ssyncset.done $0x0  }
0xc8: {  	[sflag:s31] =	ssyncadd.s32 $0xFFFFF800  }
0xc9: {  	[tilespmem:s3], [sflag:$0x1] =	stream.indirect.gather [hbm4b:s17+s21], $0x10, s30, s21, $0xb8;
	[tilespmem:$0xDE90] =	vst v63  }
0xca: {  	s11 =	simm.s32 $0xCA50;
	s4 =	simm.s32 $0x8650  }
0xcb: {  	[tilespmem:s4], [sflag:$0x2] =	stream.indirect.gather [hbm4b:s17+s21], $0x10, s11, s21, $0xb8;
	[tilespmem:$0xDE90] =	vst v63  }
0xcc: {  	_ =	swait.ge [sflag:s23], $0x4000  }
0xcd: {  	[sflag:s23] =	ssyncset.done $0x0  }
0xce: {  	[sflag:s23] =	ssyncadd.s32 $0xFFFFC000  }
0xcf: {  	s9 =	rddreg [dreg:$0x5]  }
0xd0: {  	[spmem:s9] =	stream.indirect.scatter.add.f32 [tilespmem:s3], [sflag:$0x3], $0x10, s0, s21, $0xb8;
	[tilespmem:$0xDE90] =	vst v63  }
0xd1: {  	s11 =	rddreg [dreg:$0x6]  }
0xd2: {  	[spmem:s11] =	stream.indirect.scatter.add.f32 [tilespmem:s24], [sflag:$0x5], $0x1, s0, s21, $0xb8;
	[tilespmem:$0xDE90] =	vst v63  }
0xd3: {  	_ =	swait.ge [sflag:s26], $0x4000  }
0xd4: {  	[sflag:s26] =	ssyncset.done $0x0  }
0xd5: {  	[sflag:s26] =	ssyncadd.s32 $0xFFFFC000  }
0xd6: {  	[spmem:s9] =	stream.indirect.scatter.add.f32 [tilespmem:s4], [sflag:$0x4], $0x10, s1, s21, $0xb8;
	[tilespmem:$0xDE90] =	vst v63  }
0xd7: {  	_ = 	snop  }
0xd8: {  	[spmem:s11] =	stream.indirect.scatter.add.f32 [tilespmem:s24], [sflag:$0x5], $0x1, s1, s21, $0xb8;
	[tilespmem:$0xDE90] =	vst v63  }
0xd9: {  	_ =	swait.ge [sflag:s28], $0x4000  }
0xda: {  	[sflag:s28] =	ssyncset.done $0x0  }
0xdb: {  	[sflag:s28] =	ssyncadd.s32 $0xFFFFC000  }
0xdc: {  	_ =	swait.ge [sflag:s25], $0x400  }
0xdd: {  	[sflag:s25] =	ssyncset.done $0x0  }
0xde: {  	[sflag:s25] =	ssyncadd.s32 $0xFFFFFC00  }
0xdf: {  	_ =	swait.ge [sflag:s29], $0x4000  }
0xe0: {  	[sflag:s29] =	ssyncset.done $0x0  }
0xe1: {  	[sflag:s29] =	ssyncadd.s32 $0xFFFFC000  }
0xe2: {  	_ =	swait.ge [sflag:s25], $0x400  }
0xe3: {  	[sflag:s25] =	ssyncset.done $0x0  }
0xe4: {  	[sflag:s25] =	ssyncadd.s32 $0xFFFFFC00  }
0xe5: {  	[bflag:$0x0] =	sbarrier.arrive $0xFFFF  }
0xe6: {  	[tilespmem:s3], [sflag:$0x6] =	stream.linear.gather [spmem:s6], $0x400, $0x38;
	[tilespmem:$0xDE90] =	vst v63  }
0xe7: {  	_ =	swait.ge [sflag:s31], $0x400  }
0xe8: {  	[sflag:s31] =	ssyncset.done $0x0  }
0xe9: {  	[sflag:s31] =	ssyncadd.s32 $0xFFFFFC00  }
0xea: {  	[hbm4b:s18+s5] =	stream.linear.scatter [tilespmem:s3], [sflag:$0x6], $0x400, $0x38;
	[tilespmem:$0xDE90] =	vst v63  }
0xeb: {  	_ =	swait.ge [sflag:s31], $0x400  }
0xec: {  	[sflag:s31] =	ssyncset.done $0x0  }
0xed: {  	v2 =	vmov s5;
	[sflag:s31] =	ssyncadd.s32 $0xFFFFFC00  }
0xee: {  	[tilespmem:s21], [sflag:$0x6] =	stream.linear.gather [spmem:s7], $0x40, $0x38;
	[tilespmem:$0xDE90] =	vst v63  }
0xef: {  	_ =	swait.ge [sflag:s31], $0x40  }
0xf0: {  	[sflag:s31] =	ssyncset.done $0x0  }
0xf1: {  	[sflag:s31] =	ssyncadd.s32 $0xFFFFFFC0  }
0xf2: {  	s9 =	simm.s32 $0x1;
	v2 =	vld.idx.msk [tilespmem:v2+s21+$0x0], $0xffff  }
0xf3: {  	v3 =	vmov s9;
	_ =	sdelay $0x3  }
0xf4: {  	[tilespmem:s4+$0x0] =	vst v2  }
0xf5: {  	s11 =	simm.s32 $0x2;
	v2 =	vld.idx.msk [tilespmem:v3+s21+$0x0], $0xffff  }
0xf6: {  	s5 =	simm.s32 $0x3;
	v3 =	vmov s11  }
.LBB2_8:
0xf7: {  	p1 =	sne.s32 s5, $0x3F;
	_ =	sdelay $0x1  }
.Ltmp3:
0xf8: {  	s4 =	sadd.s32 $0x10, s4;
	(pc) =	sbr.rel @p1 .LBB2_8-.Ltmp3, $3  }
0xf9: {  	[tilespmem:s4+$0x0] =	vst v2  }
0xfa: {  	v2 =	vld.idx.msk [tilespmem:v3+s21+$0x0], $0xffff;
	_ =	sdelay $0x1  }
0xfb: {  	v3 =	vmov s5;
	s5 =	sadd.s32 $0x1, s5  }
0xfc: {  	_ =	sdelay $0x1  }
0xfd: {  	s4 =	sadd.s32 $0x10, s4  }
0xfe: {  	[tilespmem:s4+$0x0] =	vst v2  }
0xff: {  	v2 =	vld.idx.msk [tilespmem:v3+s21+$0x0], $0xffff;
	_ =	sdelay $0x2  }
0x100: {  	s2 =	sadd.s32 $0x1, s2  }
0x101: {  	p1 =	sne.s32 s2, s20;
	s4 =	sadd.s32 $0x10, s4  }
.Ltmp4:
0x102: {  	s11 =	simm.s32 $0x0;
	s5 =	simm.s32 $0x8650;
	[tilespmem:s4+$0x0] =	vst v2;
	(pc) =	sbr.rel @p1 .LBB2_1-.Ltmp4, $4  }
0x103: {  	[hbm4b:s19+s11] =	stream.linear.scatter [tilespmem:s5], [sflag:$0x6], $0x400, $0x38;
	[tilespmem:$0xDE90] =	vst v63  }
0x104: {  	_ =	swait.ge [sflag:s31], $0x400  }
0x105: {  	[sflag:s31] =	ssyncset.done $0x0  }
0x106: {  	[sflag:s31] =	ssyncadd.s32 $0xFFFFFC00  }
0x107: {  	_ =	sfence.sel $0x180000  }
0x108: {  	[bflag:$0x0] =	sbarrier.arrive $0xFFFF  }
0x109: {  	_ =	strace $0x9000004A  }
0x10a: {  	s0 =	stileid.u32;
	[bflag:$0x2] =	sbarrier.arrive $0xFFFF  }
0x10b: {  	p0 =	sne.s32 s0, $0x0;
	s0 =	rddreg [dreg:$0x7]  }
0x10c: {  	s0 =	sadd.s32 @!p0 $0x100000, s0  }
0x10d: {  	[sflag:s0] =	ssyncadd.tile.s32 @!p0 $0x1;
	_ =	shalt  }
.Lfunc_end2:
_tile_overlayer_lowered:
.L_overlay_start_2:
0x10e: {  	(tag) =	ssettag $0x2  }
0x10f: {  	s0 =	rddreg [dreg:$0x0];
	s2 =	stileid.u32  }
0x110: {  	s1 =	rddreg [dreg:$0x1];
	p0 =	sne.s32 s2, $0x0  }
0x111: {  	s3 =	rddreg [dreg:$0x2];
	[bflag:$0x3] =	sbarrier.arrive $0xFFFF;
	s2 =	simm.s32 @!p0 $0x1C06  }
0x112: {  	[timem:s3], [sflag:s2] =	dma.local @!p0 [hbm:s0], s1  }
0x113: {  	s0 =	simm.s32 @!p0 $0x6  }
0x114: {  	_ =	swait.ge @!p0 [sflag:s0], s1  }
0x115: {  	s1 =	ssub.s32 @!p0 $0x0, s1;
	[sflag:s0] =	ssyncset.done @!p0 $0x0  }
0x116: {  	[sflag:s0] =	ssyncadd.s32 @!p0 s1  }
0x117: {  	[bflag:$0x3] =	sbarrier.arrive $0xFFFF  }
0x118: {  	_ =	shalt  }

</sc_bundles>
